<compile_context>
chip_gen: v7x
topology: tpu7x:2x2x1
jax: 0.10.2.dev20260603
libtpu: 0.0.44.dev20260713+nightly
codegen_flags: <defaults>
</compile_context>

<pallas_src>
import functools

import jax
import jax.numpy as jnp
from jax import lax
from jax.experimental import pallas as pl
from jax.experimental.pallas import tpu as pltpu, tpu_sc as plsc

_NC, _NS, _LANES = 2, 16, 16
_NW = _NC * _NS
_B, _L, _D = 4096, 200, 128
_LD = _L * _D
_ROWS = _B // _NW
_NBUF = 3
_NV = _LD // _LANES


def _sc_body(x_hbm, pos_hbm, out_hbm, pos_v, buf0, buf1, buf2,
             in_sems, out_sems):
    wid = lax.axis_index("s") * _NC + lax.axis_index("c")
    base = wid * _ROWS
    bufs = (buf0, buf1, buf2)

    def start_in(g, b):
        pltpu.make_async_copy(
            x_hbm.at[pl.ds((base + g) * _LD, _LD)], bufs[b], in_sems.at[b]).start()

    def wait_in(b):
        pltpu.make_async_copy(
            x_hbm.at[pl.ds(base * _LD, _LD)], bufs[b], in_sems.at[b]).wait()

    def start_out(g, b):
        pltpu.make_async_copy(
            bufs[b], out_hbm.at[pl.ds((base + g) * _LD, _LD)], out_sems.at[b]).start()

    def wait_out(b):
        pltpu.make_async_copy(
            bufs[b], out_hbm.at[pl.ds(base * _LD, _LD)], out_sems.at[b]).wait()

    def compute(b):
        @pl.loop(0, _NV, unroll=8)
        def _(i):
            off = i * _LANES
            plsc.addupdate(bufs[b].at[pl.ds(off, _LANES)], pos_v[pl.ds(off, _LANES)])

    for g in range(_NBUF - 1):
        start_in(g, g)
    pltpu.sync_copy(pos_hbm, pos_v)

    for g in range(_NBUF):
        wait_in(g)
        compute(g)
        start_out(g, g)
        bn = (g + _NBUF - 1) % _NBUF
        if g >= 1:
            wait_out(bn)
        start_in(g + _NBUF - 1, bn)

    _K = (_ROWS + 1 - 2 * _NBUF) // _NBUF

    @pl.loop(0, _K)
    def _(i):
        for b in range(_NBUF):
            g = _NBUF + i * _NBUF + b
            wait_in(b)
            compute(b)
            start_out(g, b)
            bn = (b + _NBUF - 1) % _NBUF
            wait_out(bn)
            start_in(g + _NBUF - 1, bn)

    for g in range(_NBUF + _K * _NBUF, _ROWS):
        b = g % _NBUF
        wait_in(b)
        compute(b)
        start_out(g, b)
        bn = (b + _NBUF - 1) % _NBUF
        wait_out(bn)
        if g + _NBUF - 1 < _ROWS:
            start_in(g + _NBUF - 1, bn)

    wait_out((_ROWS - 1) % _NBUF)


@jax.jit
def _sc_add(x1, pos1):
    body = functools.partial(
        pl.kernel,
        out_type=jax.ShapeDtypeStruct((_B * _LD,), jnp.float32),
        mesh=plsc.VectorSubcoreMesh(
            core_axis_name="c", subcore_axis_name="s",
            num_cores=_NC, num_subcores=_NS,
        ),
        scratch_types=[
            pltpu.VMEM((_LD,), jnp.float32),
            pltpu.VMEM((_LD,), jnp.float32),
            pltpu.VMEM((_LD,), jnp.float32),
            pltpu.VMEM((_LD,), jnp.float32),
            pltpu.SemaphoreType.DMA((_NBUF,)),
            pltpu.SemaphoreType.DMA((_NBUF,)),
        ],
    )(_sc_body)
    return body(x1, pos1)


def kernel(x, pos_embedding):
    Bx, Lx, Dx = x.shape
    out1 = _sc_add(x.reshape(Bx * Lx * Dx), pos_embedding.reshape(Lx * Dx))
    return out1.reshape(Bx, Lx, Dx)

# --- scband reference (transcript-rebuilt; emitter-appended) ---
"""Pipeline reference for scband-session-positional-encoding-84250078478619 (READ-ONLY COPY).

The authoritative reference and input builder live on the scoring server;
editing this copy changes nothing except your own understanding.
"""

import jax, jax.numpy as jnp
import numpy as np

B, L, D = 4096, 200, 128
MAX_LEN = 200

def setup_inputs(seed: int = 0) -> dict:
    key = jax.random.key(seed)
    k1, k2 = jax.random.split(key)
    x = jax.random.normal(k1, (B, L, D), dtype=jnp.float32)
    # learnable positional embedding table, init normal(0, 0.02) as in the module
    pos_embedding = jax.random.normal(k2, (MAX_LEN, D), dtype=jnp.float32) * 0.02
    return {"x": x, "pos_embedding": pos_embedding}

def reference(x, pos_embedding):
    # positions = arange(L); gather rows from the embedding table; broadcast-add.
    # Dropout is evaluated in inference mode (identity), standard for reference numerics.
    Bx, Lx, Dx = x.shape
    positions = jnp.arange(Lx, dtype=jnp.int32)
    pos = jnp.take(pos_embedding, positions, axis=0)  # [L, D] gather
    return x + pos[None, :, :]

if __name__ == "__main__":
    import jax
    _d = setup_inputs()
    print(jax.jit(kernel)(*tuple(_d.values())))

</pallas_src>

<mosaic_0001>
#map = affine_map<(d0, d1) -> (0)>
module attributes {stable_mosaic.version = 14 : i64} {
  func.func @_sc_body(%arg0: i32, %arg1: i32, %arg2: memref<104857600xf32, #tpu.memory_space<hbm>>, %arg3: memref<25600xf32, #tpu.memory_space<hbm>>, %arg4: memref<104857600xf32, #tpu.memory_space<hbm>>, %arg5: memref<25600xf32, #tpu.memory_space<vmem>>, %arg6: memref<25600xf32, #tpu.memory_space<vmem>>, %arg7: memref<25600xf32, #tpu.memory_space<vmem>>, %arg8: memref<25600xf32, #tpu.memory_space<vmem>>, %arg9: memref<3x!tpu.dma_semaphore, #tpu.memory_space<semaphore_mem>>, %arg10: memref<3x!tpu.dma_semaphore, #tpu.memory_space<semaphore_mem>>) attributes {dimension_semantics = [#tpu.dimension_semantics<core_parallel>, #tpu.dimension_semantics<subcore_parallel>], iteration_bounds = array<i64: 2, 16>, scalar_prefetch = 0 : i64, scratch_operands = 6 : i64, tpu.core_type = #tpu.core_type<sc_vector_subcore>, window_params = [{transform_indices = #map}, {transform_indices = #map}, {transform_indices = #map}]} {
    %mul3A = arith.constant 2 : i32
    %mul3A_0 = arith.muli %arg1, %mul3A : i32
    %add3A = arith.addi %mul3A_0, %arg0 : i32
    %mul3A_1 = arith.constant 128 : i32
    %mul3A_2 = arith.muli %add3A, %mul3A_1 : i32
    %add3A_3 = arith.constant 0 : i32
    %add3A_4 = arith.addi %mul3A_2, %add3A_3 : i32
    %mul3A_5 = arith.constant 25600 : i32
    %mul3A_6 = arith.muli %add3A_4, %mul3A_5 : i32
    %dma_start3A = arith.constant 0 : i32
    %dma_start3A_7 = tpu.memref_slice %arg2[%mul3A_6] : memref<104857600xf32, #tpu.memory_space<hbm>> -> memref<25600xf32, #tpu.memory_space<hbm>>
    %dma_start3A_8 = tpu.memref_slice %arg9[%dma_start3A] : memref<3x!tpu.dma_semaphore, #tpu.memory_space<semaphore_mem>> -> memref<1x!tpu.dma_semaphore, #tpu.memory_space<semaphore_mem>>
    %dma_start3A_9 = tpu.memref_squeeze %dma_start3A_8 : memref<1x!tpu.dma_semaphore, #tpu.memory_space<semaphore_mem>> -> memref<!tpu.dma_semaphore, #tpu.memory_space<semaphore_mem>>
    %dma_start3A_10 = tpu.memref_slice %arg2[%mul3A_6] : memref<104857600xf32, #tpu.memory_space<hbm>> -> memref<25600xf32, #tpu.memory_space<hbm>>
    tpu.enqueue_dma source(%dma_start3A_10 : memref<25600xf32, #tpu.memory_space<hbm>>) target(%arg6 : memref<25600xf32, #tpu.memory_space<vmem>>) target_semaphore(%dma_start3A_9 : memref<!tpu.dma_semaphore, #tpu.memory_space<semaphore_mem>>)
    %add3A_11 = arith.constant 1 : i32
    %add3A_12 = arith.addi %mul3A_2, %add3A_11 : i32
    %mul3A_13 = arith.constant 25600 : i32
    %mul3A_14 = arith.muli %add3A_12, %mul3A_13 : i32
    %dma_start3A_15 = arith.constant 1 : i32
    %dma_start3A_16 = tpu.memref_slice %arg2[%mul3A_14] : memref<104857600xf32, #tpu.memory_space<hbm>> -> memref<25600xf32, #tpu.memory_space<hbm>>
    %dma_start3A_17 = tpu.memref_slice %arg9[%dma_start3A_15] : memref<3x!tpu.dma_semaphore, #tpu.memory_space<semaphore_mem>> -> memref<1x!tpu.dma_semaphore, #tpu.memory_space<semaphore_mem>>
    %dma_start3A_18 = tpu.memref_squeeze %dma_start3A_17 : memref<1x!tpu.dma_semaphore, #tpu.memory_space<semaphore_mem>> -> memref<!tpu.dma_semaphore, #tpu.memory_space<semaphore_mem>>
    %dma_start3A_19 = tpu.memref_slice %arg2[%mul3A_14] : memref<104857600xf32, #tpu.memory_space<hbm>> -> memref<25600xf32, #tpu.memory_space<hbm>>
    tpu.enqueue_dma source(%dma_start3A_19 : memref<25600xf32, #tpu.memory_space<hbm>>) target(%arg7 : memref<25600xf32, #tpu.memory_space<vmem>>) target_semaphore(%dma_start3A_18 : memref<!tpu.dma_semaphore, #tpu.memory_space<semaphore_mem>>)
    "tpu.region"() ({
      %run_scoped3A = tpu.sem_alloc : memref<!tpu.dma_semaphore, #tpu.memory_space<semaphore_mem>>
      tpu.enqueue_dma source(%arg3 : memref<25600xf32, #tpu.memory_space<hbm>>) target(%arg5 : memref<25600xf32, #tpu.memory_space<vmem>>) target_semaphore(%run_scoped3A : memref<!tpu.dma_semaphore, #tpu.memory_space<semaphore_mem>>)
      tpu.wait_dma2 semaphore(%run_scoped3A : memref<!tpu.dma_semaphore, #tpu.memory_space<semaphore_mem>>) src(%arg3 : memref<25600xf32, #tpu.memory_space<hbm>>) dst(%arg5 : memref<25600xf32, #tpu.memory_space<vmem>>)
      tpu.yield
    }) : () -> ()
    %mul3A_20 = arith.constant 25600 : i32
    %mul3A_21 = arith.muli %mul3A_2, %mul3A_20 : i32
    %dma_wait3A = arith.constant 0 : i32
    %dma_wait3A_22 = tpu.memref_slice %arg2[%mul3A_21] : memref<104857600xf32, #tpu.memory_space<hbm>> -> memref<25600xf32, #tpu.memory_space<hbm>>
    %dma_wait3A_23 = tpu.memref_slice %arg9[%dma_wait3A] : memref<3x!tpu.dma_semaphore, #tpu.memory_space<semaphore_mem>> -> memref<1x!tpu.dma_semaphore, #tpu.memory_space<semaphore_mem>>
    %dma_wait3A_24 = tpu.memref_squeeze %dma_wait3A_23 : memref<1x!tpu.dma_semaphore, #tpu.memory_space<semaphore_mem>> -> memref<!tpu.dma_semaphore, #tpu.memory_space<semaphore_mem>>
    %dma_wait3A_25 = tpu.memref_slice %arg2[%mul3A_21] : memref<104857600xf32, #tpu.memory_space<hbm>> -> memref<25600xf32, #tpu.memory_space<hbm>>
    tpu.wait_dma2 semaphore(%dma_wait3A_24 : memref<!tpu.dma_semaphore, #tpu.memory_space<semaphore_mem>>) src(%dma_wait3A_25 : memref<25600xf32, #tpu.memory_space<hbm>>) dst(%arg6 : memref<25600xf32, #tpu.memory_space<vmem>>)
    %scan3A = arith.constant 0 : i32
    %scan3A_26 = arith.constant 1600 : i32
    %scan3A_27 = arith.addi %scan3A, %scan3A_26 : i32
    %scan3A_28 = arith.constant 8 : i32
    scf.for %scan3A_190 = %scan3A to %scan3A_27 step %scan3A_28  : i32 {
      %mul3A_191 = arith.constant 1 : i32
      %mul3A_192 = arith.muli %scan3A_190, %mul3A_191 : i32
      %add3A_193 = arith.constant 0 : i32
      %add3A_194 = arith.addi %add3A_193, %mul3A_192 : i32
      %mul3A_195 = arith.constant 16 : i32
      %mul3A_196 = arith.muli %add3A_194, %mul3A_195 : i32
      %get3A = arith.index_cast %mul3A_196 : i32 to index
      %get3A_197 = tpu.vector_load %arg5[%get3A] {strides = array<i32>} : memref<25600xf32, #tpu.memory_space<vmem>>, vector<16xf32>,
      %get3A_198 = vector.shape_cast %get3A_197 : vector<16xf32> to vector<16xf32>
      %swap3A = arith.index_cast %mul3A_196 : i32 to index
      %swap3A_199 = tpu.vector_load %arg6[%swap3A] {strides = array<i32>} : memref<25600xf32, #tpu.memory_space<vmem>>, vector<16xf32>,
      %swap3A_200 = vector.shape_cast %swap3A_199 : vector<16xf32> to vector<16xf32>
      %swap3A_201 = vector.shape_cast %get3A_198 : vector<16xf32> to vector<16xf32>
      tpu.vector_store %arg6[%swap3A], %swap3A_201 {add = true, strides = array<i32>} : memref<25600xf32, #tpu.memory_space<vmem>>, vector<16xf32>,
      %scan3A_202 = arith.constant 1 : i32
      %scan3A_203 = arith.addi %scan3A_190, %scan3A_202 : i32
      %mul3A_204 = arith.constant 1 : i32
      %mul3A_205 = arith.muli %scan3A_203, %mul3A_204 : i32
      %add3A_206 = arith.constant 0 : i32
      %add3A_207 = arith.addi %add3A_206, %mul3A_205 : i32
      %mul3A_208 = arith.constant 16 : i32
      %mul3A_209 = arith.muli %add3A_207, %mul3A_208 : i32
      %get3A_210 = arith.index_cast %mul3A_209 : i32 to index
      %get3A_211 = tpu.vector_load %arg5[%get3A_210] {strides = array<i32>} : memref<25600xf32, #tpu.memory_space<vmem>>, vector<16xf32>,
      %get3A_212 = vector.shape_cast %get3A_211 : vector<16xf32> to vector<16xf32>
      %swap3A_213 = arith.index_cast %mul3A_209 : i32 to index
      %swap3A_214 = tpu.vector_load %arg6[%swap3A_213] {strides = array<i32>} : memref<25600xf32, #tpu.memory_space<vmem>>, vector<16xf32>,
      %swap3A_215 = vector.shape_cast %swap3A_214 : vector<16xf32> to vector<16xf32>
      %swap3A_216 = vector.shape_cast %get3A_212 : vector<16xf32> to vector<16xf32>
      tpu.vector_store %arg6[%swap3A_213], %swap3A_216 {add = true, strides = array<i32>} : memref<25600xf32, #tpu.memory_space<vmem>>, vector<16xf32>,
      %scan3A_217 = arith.constant 2 : i32
      %scan3A_218 = arith.addi %scan3A_190, %scan3A_217 : i32
      %mul3A_219 = arith.constant 1 : i32
      %mul3A_220 = arith.muli %scan3A_218, %mul3A_219 : i32
      %add3A_221 = arith.constant 0 : i32
      %add3A_222 = arith.addi %add3A_221, %mul3A_220 : i32
      %mul3A_223 = arith.constant 16 : i32
      %mul3A_224 = arith.muli %add3A_222, %mul3A_223 : i32
      %get3A_225 = arith.index_cast %mul3A_224 : i32 to index
      %get3A_226 = tpu.vector_load %arg5[%get3A_225] {strides = array<i32>} : memref<25600xf32, #tpu.memory_space<vmem>>, vector<16xf32>,
      %get3A_227 = vector.shape_cast %get3A_226 : vector<16xf32> to vector<16xf32>
      %swap3A_228 = arith.index_cast %mul3A_224 : i32 to index
      %swap3A_229 = tpu.vector_load %arg6[%swap3A_228] {strides = array<i32>} : memref<25600xf32, #tpu.memory_space<vmem>>, vector<16xf32>,
      %swap3A_230 = vector.shape_cast %swap3A_229 : vector<16xf32> to vector<16xf32>
      %swap3A_231 = vector.shape_cast %get3A_227 : vector<16xf32> to vector<16xf32>
      tpu.vector_store %arg6[%swap3A_228], %swap3A_231 {add = true, strides = array<i32>} : memref<25600xf32, #tpu.memory_space<vmem>>, vector<16xf32>,
      %scan3A_232 = arith.constant 3 : i32
      %scan3A_233 = arith.addi %scan3A_190, %scan3A_232 : i32
      %mul3A_234 = arith.constant 1 : i32
      %mul3A_235 = arith.muli %scan3A_233, %mul3A_234 : i32
      %add3A_236 = arith.constant 0 : i32
      %add3A_237 = arith.addi %add3A_236, %mul3A_235 : i32
      %mul3A_238 = arith.constant 16 : i32
      %mul3A_239 = arith.muli %add3A_237, %mul3A_238 : i32
      %get3A_240 = arith.index_cast %mul3A_239 : i32 to index
      %get3A_241 = tpu.vector_load %arg5[%get3A_240] {strides = array<i32>} : memref<25600xf32, #tpu.memory_space<vmem>>, vector<16xf32>,
      %get3A_242 = vector.shape_cast %get3A_241 : vector<16xf32> to vector<16xf32>
      %swap3A_243 = arith.index_cast %mul3A_239 : i32 to index
      %swap3A_244 = tpu.vector_load %arg6[%swap3A_243] {strides = array<i32>} : memref<25600xf32, #tpu.memory_space<vmem>>, vector<16xf32>,
      %swap3A_245 = vector.shape_cast %swap3A_244 : vector<16xf32> to vector<16xf32>
      %swap3A_246 = vector.shape_cast %get3A_242 : vector<16xf32> to vector<16xf32>
      tpu.vector_store %arg6[%swap3A_243], %swap3A_246 {add = true, strides = array<i32>} : memref<25600xf32, #tpu.memory_space<vmem>>, vector<16xf32>,
      %scan3A_247 = arith.constant 4 : i32
      %scan3A_248 = arith.addi %scan3A_190, %scan3A_247 : i32
      %mul3A_249 = arith.constant 1 : i32
      %mul3A_250 = arith.muli %scan3A_248, %mul3A_249 : i32
      %add3A_251 = arith.constant 0 : i32
      %add3A_252 = arith.addi %add3A_251, %mul3A_250 : i32
      %mul3A_253 = arith.constant 16 : i32
      %mul3A_254 = arith.muli %add3A_252, %mul3A_253 : i32
      %get3A_255 = arith.index_cast %mul3A_254 : i32 to index
      %get3A_256 = tpu.vector_load %arg5[%get3A_255] {strides = array<i32>} : memref<25600xf32, #tpu.memory_space<vmem>>, vector<16xf32>,
      %get3A_257 = vector.shape_cast %get3A_256 : vector<16xf32> to vector<16xf32>
      %swap3A_258 = arith.index_cast %mul3A_254 : i32 to index
      %swap3A_259 = tpu.vector_load %arg6[%swap3A_258] {strides = array<i32>} : memref<25600xf32, #tpu.memory_space<vmem>>, vector<16xf32>,
      %swap3A_260 = vector.shape_cast %swap3A_259 : vector<16xf32> to vector<16xf32>
      %swap3A_261 = vector.shape_cast %get3A_257 : vector<16xf32> to vector<16xf32>
      tpu.vector_store %arg6[%swap3A_258], %swap3A_261 {add = true, strides = array<i32>} : memref<25600xf32, #tpu.memory_space<vmem>>, vector<16xf32>,
      %scan3A_262 = arith.constant 5 : i32
      %scan3A_263 = arith.addi %scan3A_190, %scan3A_262 : i32
      %mul3A_264 = arith.constant 1 : i32
      %mul3A_265 = arith.muli %scan3A_263, %mul3A_264 : i32
      %add3A_266 = arith.constant 0 : i32
      %add3A_267 = arith.addi %add3A_266, %mul3A_265 : i32
      %mul3A_268 = arith.constant 16 : i32
      %mul3A_269 = arith.muli %add3A_267, %mul3A_268 : i32
      %get3A_270 = arith.index_cast %mul3A_269 : i32 to index
      %get3A_271 = tpu.vector_load %arg5[%get3A_270] {strides = array<i32>} : memref<25600xf32, #tpu.memory_space<vmem>>, vector<16xf32>,
      %get3A_272 = vector.shape_cast %get3A_271 : vector<16xf32> to vector<16xf32>
      %swap3A_273 = arith.index_cast %mul3A_269 : i32 to index
      %swap3A_274 = tpu.vector_load %arg6[%swap3A_273] {strides = array<i32>} : memref<25600xf32, #tpu.memory_space<vmem>>, vector<16xf32>,
      %swap3A_275 = vector.shape_cast %swap3A_274 : vector<16xf32> to vector<16xf32>
      %swap3A_276 = vector.shape_cast %get3A_272 : vector<16xf32> to vector<16xf32>
      tpu.vector_store %arg6[%swap3A_273], %swap3A_276 {add = true, strides = array<i32>} : memref<25600xf32, #tpu.memory_space<vmem>>, vector<16xf32>,
      %scan3A_277 = arith.constant 6 : i32
      %scan3A_278 = arith.addi %scan3A_190, %scan3A_277 : i32
      %mul3A_279 = arith.constant 1 : i32
      %mul3A_280 = arith.muli %scan3A_278, %mul3A_279 : i32
      %add3A_281 = arith.constant 0 : i32
      %add3A_282 = arith.addi %add3A_281, %mul3A_280 : i32
      %mul3A_283 = arith.constant 16 : i32
      %mul3A_284 = arith.muli %add3A_282, %mul3A_283 : i32
      %get3A_285 = arith.index_cast %mul3A_284 : i32 to index
      %get3A_286 = tpu.vector_load %arg5[%get3A_285] {strides = array<i32>} : memref<25600xf32, #tpu.memory_space<vmem>>, vector<16xf32>,
      %get3A_287 = vector.shape_cast %get3A_286 : vector<16xf32> to vector<16xf32>
      %swap3A_288 = arith.index_cast %mul3A_284 : i32 to index
      %swap3A_289 = tpu.vector_load %arg6[%swap3A_288] {strides = array<i32>} : memref<25600xf32, #tpu.memory_space<vmem>>, vector<16xf32>,
      %swap3A_290 = vector.shape_cast %swap3A_289 : vector<16xf32> to vector<16xf32>
      %swap3A_291 = vector.shape_cast %get3A_287 : vector<16xf32> to vector<16xf32>
      tpu.vector_store %arg6[%swap3A_288], %swap3A_291 {add = true, strides = array<i32>} : memref<25600xf32, #tpu.memory_space<vmem>>, vector<16xf32>,
      %scan3A_292 = arith.constant 7 : i32
      %scan3A_293 = arith.addi %scan3A_190, %scan3A_292 : i32
      %mul3A_294 = arith.constant 1 : i32
      %mul3A_295 = arith.muli %scan3A_293, %mul3A_294 : i32
      %add3A_296 = arith.constant 0 : i32
      %add3A_297 = arith.addi %add3A_296, %mul3A_295 : i32
      %mul3A_298 = arith.constant 16 : i32
      %mul3A_299 = arith.muli %add3A_297, %mul3A_298 : i32
      %get3A_300 = arith.index_cast %mul3A_299 : i32 to index
      %get3A_301 = tpu.vector_load %arg5[%get3A_300] {strides = array<i32>} : memref<25600xf32, #tpu.memory_space<vmem>>, vector<16xf32>,
      %get3A_302 = vector.shape_cast %get3A_301 : vector<16xf32> to vector<16xf32>
      %swap3A_303 = arith.index_cast %mul3A_299 : i32 to index
      %swap3A_304 = tpu.vector_load %arg6[%swap3A_303] {strides = array<i32>} : memref<25600xf32, #tpu.memory_space<vmem>>, vector<16xf32>,
      %swap3A_305 = vector.shape_cast %swap3A_304 : vector<16xf32> to vector<16xf32>
      %swap3A_306 = vector.shape_cast %get3A_302 : vector<16xf32> to vector<16xf32>
      tpu.vector_store %arg6[%swap3A_303], %swap3A_306 {add = true, strides = array<i32>} : memref<25600xf32, #tpu.memory_space<vmem>>, vector<16xf32>,
    }
    %scan3A_29 = arith.constant 1600 : i32
    %add3A_30 = arith.constant 0 : i32
    %add3A_31 = arith.addi %mul3A_2, %add3A_30 : i32
    %mul3A_32 = arith.constant 25600 : i32
    %mul3A_33 = arith.muli %add3A_31, %mul3A_32 : i32
    %dma_start3A_34 = arith.constant 0 : i32
    %dma_start3A_35 = tpu.memref_slice %arg4[%mul3A_33] : memref<104857600xf32, #tpu.memory_space<hbm>> -> memref<25600xf32, #tpu.memory_space<hbm>>
    %dma_start3A_36 = tpu.memref_slice %arg10[%dma_start3A_34] : memref<3x!tpu.dma_semaphore, #tpu.memory_space<semaphore_mem>> -> memref<1x!tpu.dma_semaphore, #tpu.memory_space<semaphore_mem>>
    %dma_start3A_37 = tpu.memref_squeeze %dma_start3A_36 : memref<1x!tpu.dma_semaphore, #tpu.memory_space<semaphore_mem>> -> memref<!tpu.dma_semaphore, #tpu.memory_space<semaphore_mem>>
    %dma_start3A_38 = tpu.memref_slice %arg4[%mul3A_33] : memref<104857600xf32, #tpu.memory_space<hbm>> -> memref<25600xf32, #tpu.memory_space<hbm>>
    tpu.enqueue_dma source(%arg6 : memref<25600xf32, #tpu.memory_space<vmem>>) target(%dma_start3A_38 : memref<25600xf32, #tpu.memory_space<hbm>>) target_semaphore(%dma_start3A_37 : memref<!tpu.dma_semaphore, #tpu.memory_space<semaphore_mem>>)
    %add3A_39 = arith.constant 2 : i32
    %add3A_40 = arith.addi %mul3A_2, %add3A_39 : i32
    %mul3A_41 = arith.constant 25600 : i32
    %mul3A_42 = arith.muli %add3A_40, %mul3A_41 : i32
    %dma_start3A_43 = arith.constant 2 : i32
    %dma_start3A_44 = tpu.memref_slice %arg2[%mul3A_42] : memref<104857600xf32, #tpu.memory_space<hbm>> -> memref<25600xf32, #tpu.memory_space<hbm>>
    %dma_start3A_45 = tpu.memref_slice %arg9[%dma_start3A_43] : memref<3x!tpu.dma_semaphore, #tpu.memory_space<semaphore_mem>> -> memref<1x!tpu.dma_semaphore, #tpu.memory_space<semaphore_mem>>
    %dma_start3A_46 = tpu.memref_squeeze %dma_start3A_45 : memref<1x!tpu.dma_semaphore, #tpu.memory_space<semaphore_mem>> -> memref<!tpu.dma_semaphore, #tpu.memory_space<semaphore_mem>>
    %dma_start3A_47 = tpu.memref_slice %arg2[%mul3A_42] : memref<104857600xf32, #tpu.memory_space<hbm>> -> memref<25600xf32, #tpu.memory_space<hbm>>
    tpu.enqueue_dma source(%dma_start3A_47 : memref<25600xf32, #tpu.memory_space<hbm>>) target(%arg8 : memref<25600xf32, #tpu.memory_space<vmem>>) target_semaphore(%dma_start3A_46 : memref<!tpu.dma_semaphore, #tpu.memory_space<semaphore_mem>>)
    %mul3A_48 = arith.constant 25600 : i32
    %mul3A_49 = arith.muli %mul3A_2, %mul3A_48 : i32
    %dma_wait3A_50 = arith.constant 1 : i32
    %dma_wait3A_51 = tpu.memref_slice %arg2[%mul3A_49] : memref<104857600xf32, #tpu.memory_space<hbm>> -> memref<25600xf32, #tpu.memory_space<hbm>>
    %dma_wait3A_52 = tpu.memref_slice %arg9[%dma_wait3A_50] : memref<3x!tpu.dma_semaphore, #tpu.memory_space<semaphore_mem>> -> memref<1x!tpu.dma_semaphore, #tpu.memory_space<semaphore_mem>>
    %dma_wait3A_53 = tpu.memref_squeeze %dma_wait3A_52 : memref<1x!tpu.dma_semaphore, #tpu.memory_space<semaphore_mem>> -> memref<!tpu.dma_semaphore, #tpu.memory_space<semaphore_mem>>
    %dma_wait3A_54 = tpu.memref_slice %arg2[%mul3A_49] : memref<104857600xf32, #tpu.memory_space<hbm>> -> memref<25600xf32, #tpu.memory_space<hbm>>
    tpu.wait_dma2 semaphore(%dma_wait3A_53 : memref<!tpu.dma_semaphore, #tpu.memory_space<semaphore_mem>>) src(%dma_wait3A_54 : memref<25600xf32, #tpu.memory_space<hbm>>) dst(%arg7 : memref<25600xf32, #tpu.memory_space<vmem>>)
    %scan3A_55 = arith.constant 0 : i32
    %scan3A_56 = arith.constant 1600 : i32
    %scan3A_57 = arith.addi %scan3A_55, %scan3A_56 : i32
    %scan3A_58 = arith.constant 8 : i32
    scf.for %scan3A_190 = %scan3A_55 to %scan3A_57 step %scan3A_58  : i32 {
      %mul3A_191 = arith.constant 1 : i32
      %mul3A_192 = arith.muli %scan3A_190, %mul3A_191 : i32
      %add3A_193 = arith.constant 0 : i32
      %add3A_194 = arith.addi %add3A_193, %mul3A_192 : i32
      %mul3A_195 = arith.constant 16 : i32
      %mul3A_196 = arith.muli %add3A_194, %mul3A_195 : i32
      %get3A = arith.index_cast %mul3A_196 : i32 to index
      %get3A_197 = tpu.vector_load %arg5[%get3A] {strides = array<i32>} : memref<25600xf32, #tpu.memory_space<vmem>>, vector<16xf32>,
      %get3A_198 = vector.shape_cast %get3A_197 : vector<16xf32> to vector<16xf32>
      %swap3A = arith.index_cast %mul3A_196 : i32 to index
      %swap3A_199 = tpu.vector_load %arg7[%swap3A] {strides = array<i32>} : memref<25600xf32, #tpu.memory_space<vmem>>, vector<16xf32>,
      %swap3A_200 = vector.shape_cast %swap3A_199 : vector<16xf32> to vector<16xf32>
      %swap3A_201 = vector.shape_cast %get3A_198 : vector<16xf32> to vector<16xf32>
      tpu.vector_store %arg7[%swap3A], %swap3A_201 {add = true, strides = array<i32>} : memref<25600xf32, #tpu.memory_space<vmem>>, vector<16xf32>,
      %scan3A_202 = arith.constant 1 : i32
      %scan3A_203 = arith.addi %scan3A_190, %scan3A_202 : i32
      %mul3A_204 = arith.constant 1 : i32
      %mul3A_205 = arith.muli %scan3A_203, %mul3A_204 : i32
      %add3A_206 = arith.constant 0 : i32
      %add3A_207 = arith.addi %add3A_206, %mul3A_205 : i32
      %mul3A_208 = arith.constant 16 : i32
      %mul3A_209 = arith.muli %add3A_207, %mul3A_208 : i32
      %get3A_210 = arith.index_cast %mul3A_209 : i32 to index
      %get3A_211 = tpu.vector_load %arg5[%get3A_210] {strides = array<i32>} : memref<25600xf32, #tpu.memory_space<vmem>>, vector<16xf32>,
      %get3A_212 = vector.shape_cast %get3A_211 : vector<16xf32> to vector<16xf32>
      %swap3A_213 = arith.index_cast %mul3A_209 : i32 to index
      %swap3A_214 = tpu.vector_load %arg7[%swap3A_213] {strides = array<i32>} : memref<25600xf32, #tpu.memory_space<vmem>>, vector<16xf32>,
      %swap3A_215 = vector.shape_cast %swap3A_214 : vector<16xf32> to vector<16xf32>
      %swap3A_216 = vector.shape_cast %get3A_212 : vector<16xf32> to vector<16xf32>
      tpu.vector_store %arg7[%swap3A_213], %swap3A_216 {add = true, strides = array<i32>} : memref<25600xf32, #tpu.memory_space<vmem>>, vector<16xf32>,
      %scan3A_217 = arith.constant 2 : i32
      %scan3A_218 = arith.addi %scan3A_190, %scan3A_217 : i32
      %mul3A_219 = arith.constant 1 : i32
      %mul3A_220 = arith.muli %scan3A_218, %mul3A_219 : i32
      %add3A_221 = arith.constant 0 : i32
      %add3A_222 = arith.addi %add3A_221, %mul3A_220 : i32
      %mul3A_223 = arith.constant 16 : i32
      %mul3A_224 = arith.muli %add3A_222, %mul3A_223 : i32
      %get3A_225 = arith.index_cast %mul3A_224 : i32 to index
      %get3A_226 = tpu.vector_load %arg5[%get3A_225] {strides = array<i32>} : memref<25600xf32, #tpu.memory_space<vmem>>, vector<16xf32>,
      %get3A_227 = vector.shape_cast %get3A_226 : vector<16xf32> to vector<16xf32>
      %swap3A_228 = arith.index_cast %mul3A_224 : i32 to index
      %swap3A_229 = tpu.vector_load %arg7[%swap3A_228] {strides = array<i32>} : memref<25600xf32, #tpu.memory_space<vmem>>, vector<16xf32>,
      %swap3A_230 = vector.shape_cast %swap3A_229 : vector<16xf32> to vector<16xf32>
      %swap3A_231 = vector.shape_cast %get3A_227 : vector<16xf32> to vector<16xf32>
      tpu.vector_store %arg7[%swap3A_228], %swap3A_231 {add = true, strides = array<i32>} : memref<25600xf32, #tpu.memory_space<vmem>>, vector<16xf32>,
      %scan3A_232 = arith.constant 3 : i32
      %scan3A_233 = arith.addi %scan3A_190, %scan3A_232 : i32
      %mul3A_234 = arith.constant 1 : i32
      %mul3A_235 = arith.muli %scan3A_233, %mul3A_234 : i32
      %add3A_236 = arith.constant 0 : i32
      %add3A_237 = arith.addi %add3A_236, %mul3A_235 : i32
      %mul3A_238 = arith.constant 16 : i32
      %mul3A_239 = arith.muli %add3A_237, %mul3A_238 : i32
      %get3A_240 = arith.index_cast %mul3A_239 : i32 to index
      %get3A_241 = tpu.vector_load %arg5[%get3A_240] {strides = array<i32>} : memref<25600xf32, #tpu.memory_space<vmem>>, vector<16xf32>,
      %get3A_242 = vector.shape_cast %get3A_241 : vector<16xf32> to vector<16xf32>
      %swap3A_243 = arith.index_cast %mul3A_239 : i32 to index
      %swap3A_244 = tpu.vector_load %arg7[%swap3A_243] {strides = array<i32>} : memref<25600xf32, #tpu.memory_space<vmem>>, vector<16xf32>,
      %swap3A_245 = vector.shape_cast %swap3A_244 : vector<16xf32> to vector<16xf32>
      %swap3A_246 = vector.shape_cast %get3A_242 : vector<16xf32> to vector<16xf32>
      tpu.vector_store %arg7[%swap3A_243], %swap3A_246 {add = true, strides = array<i32>} : memref<25600xf32, #tpu.memory_space<vmem>>, vector<16xf32>,
      %scan3A_247 = arith.constant 4 : i32
      %scan3A_248 = arith.addi %scan3A_190, %scan3A_247 : i32
      %mul3A_249 = arith.constant 1 : i32
      %mul3A_250 = arith.muli %scan3A_248, %mul3A_249 : i32
      %add3A_251 = arith.constant 0 : i32
      %add3A_252 = arith.addi %add3A_251, %mul3A_250 : i32
      %mul3A_253 = arith.constant 16 : i32
      %mul3A_254 = arith.muli %add3A_252, %mul3A_253 : i32
      %get3A_255 = arith.index_cast %mul3A_254 : i32 to index
      %get3A_256 = tpu.vector_load %arg5[%get3A_255] {strides = array<i32>} : memref<25600xf32, #tpu.memory_space<vmem>>, vector<16xf32>,
      %get3A_257 = vector.shape_cast %get3A_256 : vector<16xf32> to vector<16xf32>
      %swap3A_258 = arith.index_cast %mul3A_254 : i32 to index
      %swap3A_259 = tpu.vector_load %arg7[%swap3A_258] {strides = array<i32>} : memref<25600xf32, #tpu.memory_space<vmem>>, vector<16xf32>,
      %swap3A_260 = vector.shape_cast %swap3A_259 : vector<16xf32> to vector<16xf32>
      %swap3A_261 = vector.shape_cast %get3A_257 : vector<16xf32> to vector<16xf32>
      tpu.vector_store %arg7[%swap3A_258], %swap3A_261 {add = true, strides = array<i32>} : memref<25600xf32, #tpu.memory_space<vmem>>, vector<16xf32>,
      %scan3A_262 = arith.constant 5 : i32
      %scan3A_263 = arith.addi %scan3A_190, %scan3A_262 : i32
      %mul3A_264 = arith.constant 1 : i32
      %mul3A_265 = arith.muli %scan3A_263, %mul3A_264 : i32
      %add3A_266 = arith.constant 0 : i32
      %add3A_267 = arith.addi %add3A_266, %mul3A_265 : i32
      %mul3A_268 = arith.constant 16 : i32
      %mul3A_269 = arith.muli %add3A_267, %mul3A_268 : i32
      %get3A_270 = arith.index_cast %mul3A_269 : i32 to index
      %get3A_271 = tpu.vector_load %arg5[%get3A_270] {strides = array<i32>} : memref<25600xf32, #tpu.memory_space<vmem>>, vector<16xf32>,
      %get3A_272 = vector.shape_cast %get3A_271 : vector<16xf32> to vector<16xf32>
      %swap3A_273 = arith.index_cast %mul3A_269 : i32 to index
      %swap3A_274 = tpu.vector_load %arg7[%swap3A_273] {strides = array<i32>} : memref<25600xf32, #tpu.memory_space<vmem>>, vector<16xf32>,
      %swap3A_275 = vector.shape_cast %swap3A_274 : vector<16xf32> to vector<16xf32>
      %swap3A_276 = vector.shape_cast %get3A_272 : vector<16xf32> to vector<16xf32>
      tpu.vector_store %arg7[%swap3A_273], %swap3A_276 {add = true, strides = array<i32>} : memref<25600xf32, #tpu.memory_space<vmem>>, vector<16xf32>,
      %scan3A_277 = arith.constant 6 : i32
      %scan3A_278 = arith.addi %scan3A_190, %scan3A_277 : i32
      %mul3A_279 = arith.constant 1 : i32
      %mul3A_280 = arith.muli %scan3A_278, %mul3A_279 : i32
      %add3A_281 = arith.constant 0 : i32
      %add3A_282 = arith.addi %add3A_281, %mul3A_280 : i32
      %mul3A_283 = arith.constant 16 : i32
      %mul3A_284 = arith.muli %add3A_282, %mul3A_283 : i32
      %get3A_285 = arith.index_cast %mul3A_284 : i32 to index
      %get3A_286 = tpu.vector_load %arg5[%get3A_285] {strides = array<i32>} : memref<25600xf32, #tpu.memory_space<vmem>>, vector<16xf32>,
      %get3A_287 = vector.shape_cast %get3A_286 : vector<16xf32> to vector<16xf32>
      %swap3A_288 = arith.index_cast %mul3A_284 : i32 to index
      %swap3A_289 = tpu.vector_load %arg7[%swap3A_288] {strides = array<i32>} : memref<25600xf32, #tpu.memory_space<vmem>>, vector<16xf32>,
      %swap3A_290 = vector.shape_cast %swap3A_289 : vector<16xf32> to vector<16xf32>
      %swap3A_291 = vector.shape_cast %get3A_287 : vector<16xf32> to vector<16xf32>
      tpu.vector_store %arg7[%swap3A_288], %swap3A_291 {add = true, strides = array<i32>} : memref<25600xf32, #tpu.memory_space<vmem>>, vector<16xf32>,
      %scan3A_292 = arith.constant 7 : i32
      %scan3A_293 = arith.addi %scan3A_190, %scan3A_292 : i32
      %mul3A_294 = arith.constant 1 : i32
      %mul3A_295 = arith.muli %scan3A_293, %mul3A_294 : i32
      %add3A_296 = arith.constant 0 : i32
      %add3A_297 = arith.addi %add3A_296, %mul3A_295 : i32
      %mul3A_298 = arith.constant 16 : i32
      %mul3A_299 = arith.muli %add3A_297, %mul3A_298 : i32
      %get3A_300 = arith.index_cast %mul3A_299 : i32 to index
      %get3A_301 = tpu.vector_load %arg5[%get3A_300] {strides = array<i32>} : memref<25600xf32, #tpu.memory_space<vmem>>, vector<16xf32>,
      %get3A_302 = vector.shape_cast %get3A_301 : vector<16xf32> to vector<16xf32>
      %swap3A_303 = arith.index_cast %mul3A_299 : i32 to index
      %swap3A_304 = tpu.vector_load %arg7[%swap3A_303] {strides = array<i32>} : memref<25600xf32, #tpu.memory_space<vmem>>, vector<16xf32>,
      %swap3A_305 = vector.shape_cast %swap3A_304 : vector<16xf32> to vector<16xf32>
      %swap3A_306 = vector.shape_cast %get3A_302 : vector<16xf32> to vector<16xf32>
      tpu.vector_store %arg7[%swap3A_303], %swap3A_306 {add = true, strides = array<i32>} : memref<25600xf32, #tpu.memory_space<vmem>>, vector<16xf32>,
    }
    %scan3A_59 = arith.constant 1600 : i32
    %add3A_60 = arith.constant 1 : i32
    %add3A_61 = arith.addi %mul3A_2, %add3A_60 : i32
    %mul3A_62 = arith.constant 25600 : i32
    %mul3A_63 = arith.muli %add3A_61, %mul3A_62 : i32
    %dma_start3A_64 = arith.constant 1 : i32
    %dma_start3A_65 = tpu.memref_slice %arg4[%mul3A_63] : memref<104857600xf32, #tpu.memory_space<hbm>> -> memref<25600xf32, #tpu.memory_space<hbm>>
    %dma_start3A_66 = tpu.memref_slice %arg10[%dma_start3A_64] : memref<3x!tpu.dma_semaphore, #tpu.memory_space<semaphore_mem>> -> memref<1x!tpu.dma_semaphore, #tpu.memory_space<semaphore_mem>>
    %dma_start3A_67 = tpu.memref_squeeze %dma_start3A_66 : memref<1x!tpu.dma_semaphore, #tpu.memory_space<semaphore_mem>> -> memref<!tpu.dma_semaphore, #tpu.memory_space<semaphore_mem>>
    %dma_start3A_68 = tpu.memref_slice %arg4[%mul3A_63] : memref<104857600xf32, #tpu.memory_space<hbm>> -> memref<25600xf32, #tpu.memory_space<hbm>>
    tpu.enqueue_dma source(%arg7 : memref<25600xf32, #tpu.memory_space<vmem>>) target(%dma_start3A_68 : memref<25600xf32, #tpu.memory_space<hbm>>) target_semaphore(%dma_start3A_67 : memref<!tpu.dma_semaphore, #tpu.memory_space<semaphore_mem>>)
    %mul3A_69 = arith.constant 25600 : i32
    %mul3A_70 = arith.muli %mul3A_2, %mul3A_69 : i32
    %dma_wait3A_71 = arith.constant 0 : i32
    %dma_wait3A_72 = tpu.memref_slice %arg4[%mul3A_70] : memref<104857600xf32, #tpu.memory_space<hbm>> -> memref<25600xf32, #tpu.memory_space<hbm>>
    %dma_wait3A_73 = tpu.memref_slice %arg10[%dma_wait3A_71] : memref<3x!tpu.dma_semaphore, #tpu.memory_space<semaphore_mem>> -> memref<1x!tpu.dma_semaphore, #tpu.memory_space<semaphore_mem>>
    %dma_wait3A_74 = tpu.memref_squeeze %dma_wait3A_73 : memref<1x!tpu.dma_semaphore, #tpu.memory_space<semaphore_mem>> -> memref<!tpu.dma_semaphore, #tpu.memory_space<semaphore_mem>>
    %dma_wait3A_75 = tpu.memref_slice %arg4[%mul3A_70] : memref<104857600xf32, #tpu.memory_space<hbm>> -> memref<25600xf32, #tpu.memory_space<hbm>>
    tpu.wait_dma2 semaphore(%dma_wait3A_74 : memref<!tpu.dma_semaphore, #tpu.memory_space<semaphore_mem>>) src(%arg6 : memref<25600xf32, #tpu.memory_space<vmem>>) dst(%dma_wait3A_75 : memref<25600xf32, #tpu.memory_space<hbm>>)
    %add3A_76 = arith.constant 3 : i32
    %add3A_77 = arith.addi %mul3A_2, %add3A_76 : i32
    %mul3A_78 = arith.constant 25600 : i32
    %mul3A_79 = arith.muli %add3A_77, %mul3A_78 : i32
    %dma_start3A_80 = arith.constant 0 : i32
    %dma_start3A_81 = tpu.memref_slice %arg2[%mul3A_79] : memref<104857600xf32, #tpu.memory_space<hbm>> -> memref<25600xf32, #tpu.memory_space<hbm>>
    %dma_start3A_82 = tpu.memref_slice %arg9[%dma_start3A_80] : memref<3x!tpu.dma_semaphore, #tpu.memory_space<semaphore_mem>> -> memref<1x!tpu.dma_semaphore, #tpu.memory_space<semaphore_mem>>
    %dma_start3A_83 = tpu.memref_squeeze %dma_start3A_82 : memref<1x!tpu.dma_semaphore, #tpu.memory_space<semaphore_mem>> -> memref<!tpu.dma_semaphore, #tpu.memory_space<semaphore_mem>>
    %dma_start3A_84 = tpu.memref_slice %arg2[%mul3A_79] : memref<104857600xf32, #tpu.memory_space<hbm>> -> memref<25600xf32, #tpu.memory_space<hbm>>
    tpu.enqueue_dma source(%dma_start3A_84 : memref<25600xf32, #tpu.memory_space<hbm>>) target(%arg6 : memref<25600xf32, #tpu.memory_space<vmem>>) target_semaphore(%dma_start3A_83 : memref<!tpu.dma_semaphore, #tpu.memory_space<semaphore_mem>>)
    %mul3A_85 = arith.constant 25600 : i32
    %mul3A_86 = arith.muli %mul3A_2, %mul3A_85 : i32
    %dma_wait3A_87 = arith.constant 2 : i32
    %dma_wait3A_88 = tpu.memref_slice %arg2[%mul3A_86] : memref<104857600xf32, #tpu.memory_space<hbm>> -> memref<25600xf32, #tpu.memory_space<hbm>>
    %dma_wait3A_89 = tpu.memref_slice %arg9[%dma_wait3A_87] : memref<3x!tpu.dma_semaphore, #tpu.memory_space<semaphore_mem>> -> memref<1x!tpu.dma_semaphore, #tpu.memory_space<semaphore_mem>>
    %dma_wait3A_90 = tpu.memref_squeeze %dma_wait3A_89 : memref<1x!tpu.dma_semaphore, #tpu.memory_space<semaphore_mem>> -> memref<!tpu.dma_semaphore, #tpu.memory_space<semaphore_mem>>
    %dma_wait3A_91 = tpu.memref_slice %arg2[%mul3A_86] : memref<104857600xf32, #tpu.memory_space<hbm>> -> memref<25600xf32, #tpu.memory_space<hbm>>
    tpu.wait_dma2 semaphore(%dma_wait3A_90 : memref<!tpu.dma_semaphore, #tpu.memory_space<semaphore_mem>>) src(%dma_wait3A_91 : memref<25600xf32, #tpu.memory_space<hbm>>) dst(%arg8 : memref<25600xf32, #tpu.memory_space<vmem>>)
    %scan3A_92 = arith.constant 0 : i32
    %scan3A_93 = arith.constant 1600 : i32
    %scan3A_94 = arith.addi %scan3A_92, %scan3A_93 : i32
    %scan3A_95 = arith.constant 8 : i32
    scf.for %scan3A_190 = %scan3A_92 to %scan3A_94 step %scan3A_95  : i32 {
      %mul3A_191 = arith.constant 1 : i32
      %mul3A_192 = arith.muli %scan3A_190, %mul3A_191 : i32
      %add3A_193 = arith.constant 0 : i32
      %add3A_194 = arith.addi %add3A_193, %mul3A_192 : i32
      %mul3A_195 = arith.constant 16 : i32
      %mul3A_196 = arith.muli %add3A_194, %mul3A_195 : i32
      %get3A = arith.index_cast %mul3A_196 : i32 to index
      %get3A_197 = tpu.vector_load %arg5[%get3A] {strides = array<i32>} : memref<25600xf32, #tpu.memory_space<vmem>>, vector<16xf32>,
      %get3A_198 = vector.shape_cast %get3A_197 : vector<16xf32> to vector<16xf32>
      %swap3A = arith.index_cast %mul3A_196 : i32 to index
      %swap3A_199 = tpu.vector_load %arg8[%swap3A] {strides = array<i32>} : memref<25600xf32, #tpu.memory_space<vmem>>, vector<16xf32>,
      %swap3A_200 = vector.shape_cast %swap3A_199 : vector<16xf32> to vector<16xf32>
      %swap3A_201 = vector.shape_cast %get3A_198 : vector<16xf32> to vector<16xf32>
      tpu.vector_store %arg8[%swap3A], %swap3A_201 {add = true, strides = array<i32>} : memref<25600xf32, #tpu.memory_space<vmem>>, vector<16xf32>,
      %scan3A_202 = arith.constant 1 : i32
      %scan3A_203 = arith.addi %scan3A_190, %scan3A_202 : i32
      %mul3A_204 = arith.constant 1 : i32
      %mul3A_205 = arith.muli %scan3A_203, %mul3A_204 : i32
      %add3A_206 = arith.constant 0 : i32
      %add3A_207 = arith.addi %add3A_206, %mul3A_205 : i32
      %mul3A_208 = arith.constant 16 : i32
      %mul3A_209 = arith.muli %add3A_207, %mul3A_208 : i32
      %get3A_210 = arith.index_cast %mul3A_209 : i32 to index
      %get3A_211 = tpu.vector_load %arg5[%get3A_210] {strides = array<i32>} : memref<25600xf32, #tpu.memory_space<vmem>>, vector<16xf32>,
      %get3A_212 = vector.shape_cast %get3A_211 : vector<16xf32> to vector<16xf32>
      %swap3A_213 = arith.index_cast %mul3A_209 : i32 to index
      %swap3A_214 = tpu.vector_load %arg8[%swap3A_213] {strides = array<i32>} : memref<25600xf32, #tpu.memory_space<vmem>>, vector<16xf32>,
      %swap3A_215 = vector.shape_cast %swap3A_214 : vector<16xf32> to vector<16xf32>
      %swap3A_216 = vector.shape_cast %get3A_212 : vector<16xf32> to vector<16xf32>
      tpu.vector_store %arg8[%swap3A_213], %swap3A_216 {add = true, strides = array<i32>} : memref<25600xf32, #tpu.memory_space<vmem>>, vector<16xf32>,
      %scan3A_217 = arith.constant 2 : i32
      %scan3A_218 = arith.addi %scan3A_190, %scan3A_217 : i32
      %mul3A_219 = arith.constant 1 : i32
      %mul3A_220 = arith.muli %scan3A_218, %mul3A_219 : i32
      %add3A_221 = arith.constant 0 : i32
      %add3A_222 = arith.addi %add3A_221, %mul3A_220 : i32
      %mul3A_223 = arith.constant 16 : i32
      %mul3A_224 = arith.muli %add3A_222, %mul3A_223 : i32
      %get3A_225 = arith.index_cast %mul3A_224 : i32 to index
      %get3A_226 = tpu.vector_load %arg5[%get3A_225] {strides = array<i32>} : memref<25600xf32, #tpu.memory_space<vmem>>, vector<16xf32>,
      %get3A_227 = vector.shape_cast %get3A_226 : vector<16xf32> to vector<16xf32>
      %swap3A_228 = arith.index_cast %mul3A_224 : i32 to index
      %swap3A_229 = tpu.vector_load %arg8[%swap3A_228] {strides = array<i32>} : memref<25600xf32, #tpu.memory_space<vmem>>, vector<16xf32>,
      %swap3A_230 = vector.shape_cast %swap3A_229 : vector<16xf32> to vector<16xf32>
      %swap3A_231 = vector.shape_cast %get3A_227 : vector<16xf32> to vector<16xf32>
      tpu.vector_store %arg8[%swap3A_228], %swap3A_231 {add = true, strides = array<i32>} : memref<25600xf32, #tpu.memory_space<vmem>>, vector<16xf32>,
      %scan3A_232 = arith.constant 3 : i32
      %scan3A_233 = arith.addi %scan3A_190, %scan3A_232 : i32
      %mul3A_234 = arith.constant 1 : i32
      %mul3A_235 = arith.muli %scan3A_233, %mul3A_234 : i32
      %add3A_236 = arith.constant 0 : i32
      %add3A_237 = arith.addi %add3A_236, %mul3A_235 : i32
      %mul3A_238 = arith.constant 16 : i32
      %mul3A_239 = arith.muli %add3A_237, %mul3A_238 : i32
      %get3A_240 = arith.index_cast %mul3A_239 : i32 to index
      %get3A_241 = tpu.vector_load %arg5[%get3A_240] {strides = array<i32>} : memref<25600xf32, #tpu.memory_space<vmem>>, vector<16xf32>,
      %get3A_242 = vector.shape_cast %get3A_241 : vector<16xf32> to vector<16xf32>
      %swap3A_243 = arith.index_cast %mul3A_239 : i32 to index
      %swap3A_244 = tpu.vector_load %arg8[%swap3A_243] {strides = array<i32>} : memref<25600xf32, #tpu.memory_space<vmem>>, vector<16xf32>,
      %swap3A_245 = vector.shape_cast %swap3A_244 : vector<16xf32> to vector<16xf32>
      %swap3A_246 = vector.shape_cast %get3A_242 : vector<16xf32> to vector<16xf32>
      tpu.vector_store %arg8[%swap3A_243], %swap3A_246 {add = true, strides = array<i32>} : memref<25600xf32, #tpu.memory_space<vmem>>, vector<16xf32>,
      %scan3A_247 = arith.constant 4 : i32
      %scan3A_248 = arith.addi %scan3A_190, %scan3A_247 : i32
      %mul3A_249 = arith.constant 1 : i32
      %mul3A_250 = arith.muli %scan3A_248, %mul3A_249 : i32
      %add3A_251 = arith.constant 0 : i32
      %add3A_252 = arith.addi %add3A_251, %mul3A_250 : i32
      %mul3A_253 = arith.constant 16 : i32
      %mul3A_254 = arith.muli %add3A_252, %mul3A_253 : i32
      %get3A_255 = arith.index_cast %mul3A_254 : i32 to index
      %get3A_256 = tpu.vector_load %arg5[%get3A_255] {strides = array<i32>} : memref<25600xf32, #tpu.memory_space<vmem>>, vector<16xf32>,
      %get3A_257 = vector.shape_cast %get3A_256 : vector<16xf32> to vector<16xf32>
      %swap3A_258 = arith.index_cast %mul3A_254 : i32 to index
      %swap3A_259 = tpu.vector_load %arg8[%swap3A_258] {strides = array<i32>} : memref<25600xf32, #tpu.memory_space<vmem>>, vector<16xf32>,
      %swap3A_260 = vector.shape_cast %swap3A_259 : vector<16xf32> to vector<16xf32>
      %swap3A_261 = vector.shape_cast %get3A_257 : vector<16xf32> to vector<16xf32>
      tpu.vector_store %arg8[%swap3A_258], %swap3A_261 {add = true, strides = array<i32>} : memref<25600xf32, #tpu.memory_space<vmem>>, vector<16xf32>,
      %scan3A_262 = arith.constant 5 : i32
      %scan3A_263 = arith.addi %scan3A_190, %scan3A_262 : i32
      %mul3A_264 = arith.constant 1 : i32
      %mul3A_265 = arith.muli %scan3A_263, %mul3A_264 : i32
      %add3A_266 = arith.constant 0 : i32
      %add3A_267 = arith.addi %add3A_266, %mul3A_265 : i32
      %mul3A_268 = arith.constant 16 : i32
      %mul3A_269 = arith.muli %add3A_267, %mul3A_268 : i32
      %get3A_270 = arith.index_cast %mul3A_269 : i32 to index
      %get3A_271 = tpu.vector_load %arg5[%get3A_270] {strides = array<i32>} : memref<25600xf32, #tpu.memory_space<vmem>>, vector<16xf32>,
      %get3A_272 = vector.shape_cast %get3A_271 : vector<16xf32> to vector<16xf32>
      %swap3A_273 = arith.index_cast %mul3A_269 : i32 to index
      %swap3A_274 = tpu.vector_load %arg8[%swap3A_273] {strides = array<i32>} : memref<25600xf32, #tpu.memory_space<vmem>>, vector<16xf32>,
      %swap3A_275 = vector.shape_cast %swap3A_274 : vector<16xf32> to vector<16xf32>
      %swap3A_276 = vector.shape_cast %get3A_272 : vector<16xf32> to vector<16xf32>
      tpu.vector_store %arg8[%swap3A_273], %swap3A_276 {add = true, strides = array<i32>} : memref<25600xf32, #tpu.memory_space<vmem>>, vector<16xf32>,
      %scan3A_277 = arith.constant 6 : i32
      %scan3A_278 = arith.addi %scan3A_190, %scan3A_277 : i32
      %mul3A_279 = arith.constant 1 : i32
      %mul3A_280 = arith.muli %scan3A_278, %mul3A_279 : i32
      %add3A_281 = arith.constant 0 : i32
      %add3A_282 = arith.addi %add3A_281, %mul3A_280 : i32
      %mul3A_283 = arith.constant 16 : i32
      %mul3A_284 = arith.muli %add3A_282, %mul3A_283 : i32
      %get3A_285 = arith.index_cast %mul3A_284 : i32 to index
      %get3A_286 = tpu.vector_load %arg5[%get3A_285] {strides = array<i32>} : memref<25600xf32, #tpu.memory_space<vmem>>, vector<16xf32>,
      %get3A_287 = vector.shape_cast %get3A_286 : vector<16xf32> to vector<16xf32>
      %swap3A_288 = arith.index_cast %mul3A_284 : i32 to index
      %swap3A_289 = tpu.vector_load %arg8[%swap3A_288] {strides = array<i32>} : memref<25600xf32, #tpu.memory_space<vmem>>, vector<16xf32>,
      %swap3A_290 = vector.shape_cast %swap3A_289 : vector<16xf32> to vector<16xf32>
      %swap3A_291 = vector.shape_cast %get3A_287 : vector<16xf32> to vector<16xf32>
      tpu.vector_store %arg8[%swap3A_288], %swap3A_291 {add = true, strides = array<i32>} : memref<25600xf32, #tpu.memory_space<vmem>>, vector<16xf32>,
      %scan3A_292 = arith.constant 7 : i32
      %scan3A_293 = arith.addi %scan3A_190, %scan3A_292 : i32
      %mul3A_294 = arith.constant 1 : i32
      %mul3A_295 = arith.muli %scan3A_293, %mul3A_294 : i32
      %add3A_296 = arith.constant 0 : i32
      %add3A_297 = arith.addi %add3A_296, %mul3A_295 : i32
      %mul3A_298 = arith.constant 16 : i32
      %mul3A_299 = arith.muli %add3A_297, %mul3A_298 : i32
      %get3A_300 = arith.index_cast %mul3A_299 : i32 to index
      %get3A_301 = tpu.vector_load %arg5[%get3A_300] {strides = array<i32>} : memref<25600xf32, #tpu.memory_space<vmem>>, vector<16xf32>,
      %get3A_302 = vector.shape_cast %get3A_301 : vector<16xf32> to vector<16xf32>
      %swap3A_303 = arith.index_cast %mul3A_299 : i32 to index
      %swap3A_304 = tpu.vector_load %arg8[%swap3A_303] {strides = array<i32>} : memref<25600xf32, #tpu.memory_space<vmem>>, vector<16xf32>,
      %swap3A_305 = vector.shape_cast %swap3A_304 : vector<16xf32> to vector<16xf32>
      %swap3A_306 = vector.shape_cast %get3A_302 : vector<16xf32> to vector<16xf32>
      tpu.vector_store %arg8[%swap3A_303], %swap3A_306 {add = true, strides = array<i32>} : memref<25600xf32, #tpu.memory_space<vmem>>, vector<16xf32>,
    }
    %scan3A_96 = arith.constant 1600 : i32
    %add3A_97 = arith.constant 2 : i32
    %add3A_98 = arith.addi %mul3A_2, %add3A_97 : i32
    %mul3A_99 = arith.constant 25600 : i32
    %mul3A_100 = arith.muli %add3A_98, %mul3A_99 : i32
    %dma_start3A_101 = arith.constant 2 : i32
    %dma_start3A_102 = tpu.memref_slice %arg4[%mul3A_100] : memref<104857600xf32, #tpu.memory_space<hbm>> -> memref<25600xf32, #tpu.memory_space<hbm>>
    %dma_start3A_103 = tpu.memref_slice %arg10[%dma_start3A_101] : memref<3x!tpu.dma_semaphore, #tpu.memory_space<semaphore_mem>> -> memref<1x!tpu.dma_semaphore, #tpu.memory_space<semaphore_mem>>
    %dma_start3A_104 = tpu.memref_squeeze %dma_start3A_103 : memref<1x!tpu.dma_semaphore, #tpu.memory_space<semaphore_mem>> -> memref<!tpu.dma_semaphore, #tpu.memory_space<semaphore_mem>>
    %dma_start3A_105 = tpu.memref_slice %arg4[%mul3A_100] : memref<104857600xf32, #tpu.memory_space<hbm>> -> memref<25600xf32, #tpu.memory_space<hbm>>
    tpu.enqueue_dma source(%arg8 : memref<25600xf32, #tpu.memory_space<vmem>>) target(%dma_start3A_105 : memref<25600xf32, #tpu.memory_space<hbm>>) target_semaphore(%dma_start3A_104 : memref<!tpu.dma_semaphore, #tpu.memory_space<semaphore_mem>>)
    %mul3A_106 = arith.constant 25600 : i32
    %mul3A_107 = arith.muli %mul3A_2, %mul3A_106 : i32
    %dma_wait3A_108 = arith.constant 1 : i32
    %dma_wait3A_109 = tpu.memref_slice %arg4[%mul3A_107] : memref<104857600xf32, #tpu.memory_space<hbm>> -> memref<25600xf32, #tpu.memory_space<hbm>>
    %dma_wait3A_110 = tpu.memref_slice %arg10[%dma_wait3A_108] : memref<3x!tpu.dma_semaphore, #tpu.memory_space<semaphore_mem>> -> memref<1x!tpu.dma_semaphore, #tpu.memory_space<semaphore_mem>>
    %dma_wait3A_111 = tpu.memref_squeeze %dma_wait3A_110 : memref<1x!tpu.dma_semaphore, #tpu.memory_space<semaphore_mem>> -> memref<!tpu.dma_semaphore, #tpu.memory_space<semaphore_mem>>
    %dma_wait3A_112 = tpu.memref_slice %arg4[%mul3A_107] : memref<104857600xf32, #tpu.memory_space<hbm>> -> memref<25600xf32, #tpu.memory_space<hbm>>
    tpu.wait_dma2 semaphore(%dma_wait3A_111 : memref<!tpu.dma_semaphore, #tpu.memory_space<semaphore_mem>>) src(%arg7 : memref<25600xf32, #tpu.memory_space<vmem>>) dst(%dma_wait3A_112 : memref<25600xf32, #tpu.memory_space<hbm>>)
    %add3A_113 = arith.constant 4 : i32
    %add3A_114 = arith.addi %mul3A_2, %add3A_113 : i32
    %mul3A_115 = arith.constant 25600 : i32
    %mul3A_116 = arith.muli %add3A_114, %mul3A_115 : i32
    %dma_start3A_117 = arith.constant 1 : i32
    %dma_start3A_118 = tpu.memref_slice %arg2[%mul3A_116] : memref<104857600xf32, #tpu.memory_space<hbm>> -> memref<25600xf32, #tpu.memory_space<hbm>>
    %dma_start3A_119 = tpu.memref_slice %arg9[%dma_start3A_117] : memref<3x!tpu.dma_semaphore, #tpu.memory_space<semaphore_mem>> -> memref<1x!tpu.dma_semaphore, #tpu.memory_space<semaphore_mem>>
    %dma_start3A_120 = tpu.memref_squeeze %dma_start3A_119 : memref<1x!tpu.dma_semaphore, #tpu.memory_space<semaphore_mem>> -> memref<!tpu.dma_semaphore, #tpu.memory_space<semaphore_mem>>
    %dma_start3A_121 = tpu.memref_slice %arg2[%mul3A_116] : memref<104857600xf32, #tpu.memory_space<hbm>> -> memref<25600xf32, #tpu.memory_space<hbm>>
    tpu.enqueue_dma source(%dma_start3A_121 : memref<25600xf32, #tpu.memory_space<hbm>>) target(%arg7 : memref<25600xf32, #tpu.memory_space<vmem>>) target_semaphore(%dma_start3A_120 : memref<!tpu.dma_semaphore, #tpu.memory_space<semaphore_mem>>)
    %scan3A_122 = arith.constant 0 : i32
    %scan3A_123 = arith.constant 41 : i32
    %scan3A_124 = arith.addi %scan3A_122, %scan3A_123 : i32
    %scan3A_125 = arith.constant 1 : i32
    scf.for %scan3A_190 = %scan3A_122 to %scan3A_124 step %scan3A_125  : i32 {
      %mul3A_191 = arith.constant 1 : i32
      %mul3A_192 = arith.muli %scan3A_190, %mul3A_191 : i32
      %add3A_193 = arith.constant 0 : i32
      %add3A_194 = arith.addi %add3A_193, %mul3A_192 : i32
      %mul3A_195 = arith.constant 3 : i32
      %mul3A_196 = arith.muli %add3A_194, %mul3A_195 : i32
      %add3A_197 = arith.constant 3 : i32
      %add3A_198 = arith.addi %add3A_197, %mul3A_196 : i32
      %add3A_199 = arith.constant 0 : i32
      %add3A_200 = arith.addi %add3A_198, %add3A_199 : i32
      %mul3A_201 = arith.constant 25600 : i32
      %mul3A_202 = arith.muli %mul3A_2, %mul3A_201 : i32
      %dma_wait3A_203 = arith.constant 0 : i32
      %dma_wait3A_204 = tpu.memref_slice %arg2[%mul3A_202] : memref<104857600xf32, #tpu.memory_space<hbm>> -> memref<25600xf32, #tpu.memory_space<hbm>>
      %dma_wait3A_205 = tpu.memref_slice %arg9[%dma_wait3A_203] : memref<3x!tpu.dma_semaphore, #tpu.memory_space<semaphore_mem>> -> memref<1x!tpu.dma_semaphore, #tpu.memory_space<semaphore_mem>>
      %dma_wait3A_206 = tpu.memref_squeeze %dma_wait3A_205 : memref<1x!tpu.dma_semaphore, #tpu.memory_space<semaphore_mem>> -> memref<!tpu.dma_semaphore, #tpu.memory_space<semaphore_mem>>
      %dma_wait3A_207 = tpu.memref_slice %arg2[%mul3A_202] : memref<104857600xf32, #tpu.memory_space<hbm>> -> memref<25600xf32, #tpu.memory_space<hbm>>
      tpu.wait_dma2 semaphore(%dma_wait3A_206 : memref<!tpu.dma_semaphore, #tpu.memory_space<semaphore_mem>>) src(%dma_wait3A_207 : memref<25600xf32, #tpu.memory_space<hbm>>) dst(%arg6 : memref<25600xf32, #tpu.memory_space<vmem>>)
      %scan3A_208 = arith.constant 0 : i32
      %scan3A_209 = arith.constant 1600 : i32
      %scan3A_210 = arith.addi %scan3A_208, %scan3A_209 : i32
      %scan3A_211 = arith.constant 8 : i32
      scf.for %scan3A_329 = %scan3A_208 to %scan3A_210 step %scan3A_211  : i32 {
        %mul3A_330 = arith.constant 1 : i32
        %mul3A_331 = arith.muli %scan3A_329, %mul3A_330 : i32
        %add3A_332 = arith.constant 0 : i32
        %add3A_333 = arith.addi %add3A_332, %mul3A_331 : i32
        %mul3A_334 = arith.constant 16 : i32
        %mul3A_335 = arith.muli %add3A_333, %mul3A_334 : i32
        %get3A = arith.index_cast %mul3A_335 : i32 to index
        %get3A_336 = tpu.vector_load %arg5[%get3A] {strides = array<i32>} : memref<25600xf32, #tpu.memory_space<vmem>>, vector<16xf32>,
        %get3A_337 = vector.shape_cast %get3A_336 : vector<16xf32> to vector<16xf32>
        %swap3A = arith.index_cast %mul3A_335 : i32 to index
        %swap3A_338 = tpu.vector_load %arg6[%swap3A] {strides = array<i32>} : memref<25600xf32, #tpu.memory_space<vmem>>, vector<16xf32>,
        %swap3A_339 = vector.shape_cast %swap3A_338 : vector<16xf32> to vector<16xf32>
        %swap3A_340 = vector.shape_cast %get3A_337 : vector<16xf32> to vector<16xf32>
        tpu.vector_store %arg6[%swap3A], %swap3A_340 {add = true, strides = array<i32>} : memref<25600xf32, #tpu.memory_space<vmem>>, vector<16xf32>,
        %scan3A_341 = arith.constant 1 : i32
        %scan3A_342 = arith.addi %scan3A_329, %scan3A_341 : i32
        %mul3A_343 = arith.constant 1 : i32
        %mul3A_344 = arith.muli %scan3A_342, %mul3A_343 : i32
        %add3A_345 = arith.constant 0 : i32
        %add3A_346 = arith.addi %add3A_345, %mul3A_344 : i32
        %mul3A_347 = arith.constant 16 : i32
        %mul3A_348 = arith.muli %add3A_346, %mul3A_347 : i32
        %get3A_349 = arith.index_cast %mul3A_348 : i32 to index
        %get3A_350 = tpu.vector_load %arg5[%get3A_349] {strides = array<i32>} : memref<25600xf32, #tpu.memory_space<vmem>>, vector<16xf32>,
        %get3A_351 = vector.shape_cast %get3A_350 : vector<16xf32> to vector<16xf32>
        %swap3A_352 = arith.index_cast %mul3A_348 : i32 to index
        %swap3A_353 = tpu.vector_load %arg6[%swap3A_352] {strides = array<i32>} : memref<25600xf32, #tpu.memory_space<vmem>>, vector<16xf32>,
        %swap3A_354 = vector.shape_cast %swap3A_353 : vector<16xf32> to vector<16xf32>
        %swap3A_355 = vector.shape_cast %get3A_351 : vector<16xf32> to vector<16xf32>
        tpu.vector_store %arg6[%swap3A_352], %swap3A_355 {add = true, strides = array<i32>} : memref<25600xf32, #tpu.memory_space<vmem>>, vector<16xf32>,
        %scan3A_356 = arith.constant 2 : i32
        %scan3A_357 = arith.addi %scan3A_329, %scan3A_356 : i32
        %mul3A_358 = arith.constant 1 : i32
        %mul3A_359 = arith.muli %scan3A_357, %mul3A_358 : i32
        %add3A_360 = arith.constant 0 : i32
        %add3A_361 = arith.addi %add3A_360, %mul3A_359 : i32
        %mul3A_362 = arith.constant 16 : i32
        %mul3A_363 = arith.muli %add3A_361, %mul3A_362 : i32
        %get3A_364 = arith.index_cast %mul3A_363 : i32 to index
        %get3A_365 = tpu.vector_load %arg5[%get3A_364] {strides = array<i32>} : memref<25600xf32, #tpu.memory_space<vmem>>, vector<16xf32>,
        %get3A_366 = vector.shape_cast %get3A_365 : vector<16xf32> to vector<16xf32>
        %swap3A_367 = arith.index_cast %mul3A_363 : i32 to index
        %swap3A_368 = tpu.vector_load %arg6[%swap3A_367] {strides = array<i32>} : memref<25600xf32, #tpu.memory_space<vmem>>, vector<16xf32>,
        %swap3A_369 = vector.shape_cast %swap3A_368 : vector<16xf32> to vector<16xf32>
        %swap3A_370 = vector.shape_cast %get3A_366 : vector<16xf32> to vector<16xf32>
        tpu.vector_store %arg6[%swap3A_367], %swap3A_370 {add = true, strides = array<i32>} : memref<25600xf32, #tpu.memory_space<vmem>>, vector<16xf32>,
        %scan3A_371 = arith.constant 3 : i32
        %scan3A_372 = arith.addi %scan3A_329, %scan3A_371 : i32
        %mul3A_373 = arith.constant 1 : i32
        %mul3A_374 = arith.muli %scan3A_372, %mul3A_373 : i32
        %add3A_375 = arith.constant 0 : i32
        %add3A_376 = arith.addi %add3A_375, %mul3A_374 : i32
        %mul3A_377 = arith.constant 16 : i32
        %mul3A_378 = arith.muli %add3A_376, %mul3A_377 : i32
        %get3A_379 = arith.index_cast %mul3A_378 : i32 to index
        %get3A_380 = tpu.vector_load %arg5[%get3A_379] {strides = array<i32>} : memref<25600xf32, #tpu.memory_space<vmem>>, vector<16xf32>,
        %get3A_381 = vector.shape_cast %get3A_380 : vector<16xf32> to vector<16xf32>
        %swap3A_382 = arith.index_cast %mul3A_378 : i32 to index
        %swap3A_383 = tpu.vector_load %arg6[%swap3A_382] {strides = array<i32>} : memref<25600xf32, #tpu.memory_space<vmem>>, vector<16xf32>,
        %swap3A_384 = vector.shape_cast %swap3A_383 : vector<16xf32> to vector<16xf32>
        %swap3A_385 = vector.shape_cast %get3A_381 : vector<16xf32> to vector<16xf32>
        tpu.vector_store %arg6[%swap3A_382], %swap3A_385 {add = true, strides = array<i32>} : memref<25600xf32, #tpu.memory_space<vmem>>, vector<16xf32>,
        %scan3A_386 = arith.constant 4 : i32
        %scan3A_387 = arith.addi %scan3A_329, %scan3A_386 : i32
        %mul3A_388 = arith.constant 1 : i32
        %mul3A_389 = arith.muli %scan3A_387, %mul3A_388 : i32
        %add3A_390 = arith.constant 0 : i32
        %add3A_391 = arith.addi %add3A_390, %mul3A_389 : i32
        %mul3A_392 = arith.constant 16 : i32
        %mul3A_393 = arith.muli %add3A_391, %mul3A_392 : i32
        %get3A_394 = arith.index_cast %mul3A_393 : i32 to index
        %get3A_395 = tpu.vector_load %arg5[%get3A_394] {strides = array<i32>} : memref<25600xf32, #tpu.memory_space<vmem>>, vector<16xf32>,
        %get3A_396 = vector.shape_cast %get3A_395 : vector<16xf32> to vector<16xf32>
        %swap3A_397 = arith.index_cast %mul3A_393 : i32 to index
        %swap3A_398 = tpu.vector_load %arg6[%swap3A_397] {strides = array<i32>} : memref<25600xf32, #tpu.memory_space<vmem>>, vector<16xf32>,
        %swap3A_399 = vector.shape_cast %swap3A_398 : vector<16xf32> to vector<16xf32>
        %swap3A_400 = vector.shape_cast %get3A_396 : vector<16xf32> to vector<16xf32>
        tpu.vector_store %arg6[%swap3A_397], %swap3A_400 {add = true, strides = array<i32>} : memref<25600xf32, #tpu.memory_space<vmem>>, vector<16xf32>,
        %scan3A_401 = arith.constant 5 : i32
        %scan3A_402 = arith.addi %scan3A_329, %scan3A_401 : i32
        %mul3A_403 = arith.constant 1 : i32
        %mul3A_404 = arith.muli %scan3A_402, %mul3A_403 : i32
        %add3A_405 = arith.constant 0 : i32
        %add3A_406 = arith.addi %add3A_405, %mul3A_404 : i32
        %mul3A_407 = arith.constant 16 : i32
        %mul3A_408 = arith.muli %add3A_406, %mul3A_407 : i32
        %get3A_409 = arith.index_cast %mul3A_408 : i32 to index
        %get3A_410 = tpu.vector_load %arg5[%get3A_409] {strides = array<i32>} : memref<25600xf32, #tpu.memory_space<vmem>>, vector<16xf32>,
        %get3A_411 = vector.shape_cast %get3A_410 : vector<16xf32> to vector<16xf32>
        %swap3A_412 = arith.index_cast %mul3A_408 : i32 to index
        %swap3A_413 = tpu.vector_load %arg6[%swap3A_412] {strides = array<i32>} : memref<25600xf32, #tpu.memory_space<vmem>>, vector<16xf32>,
        %swap3A_414 = vector.shape_cast %swap3A_413 : vector<16xf32> to vector<16xf32>
        %swap3A_415 = vector.shape_cast %get3A_411 : vector<16xf32> to vector<16xf32>
        tpu.vector_store %arg6[%swap3A_412], %swap3A_415 {add = true, strides = array<i32>} : memref<25600xf32, #tpu.memory_space<vmem>>, vector<16xf32>,
        %scan3A_416 = arith.constant 6 : i32
        %scan3A_417 = arith.addi %scan3A_329, %scan3A_416 : i32
        %mul3A_418 = arith.constant 1 : i32
        %mul3A_419 = arith.muli %scan3A_417, %mul3A_418 : i32
        %add3A_420 = arith.constant 0 : i32
        %add3A_421 = arith.addi %add3A_420, %mul3A_419 : i32
        %mul3A_422 = arith.constant 16 : i32
        %mul3A_423 = arith.muli %add3A_421, %mul3A_422 : i32
        %get3A_424 = arith.index_cast %mul3A_423 : i32 to index
        %get3A_425 = tpu.vector_load %arg5[%get3A_424] {strides = array<i32>} : memref<25600xf32, #tpu.memory_space<vmem>>, vector<16xf32>,
        %get3A_426 = vector.shape_cast %get3A_425 : vector<16xf32> to vector<16xf32>
        %swap3A_427 = arith.index_cast %mul3A_423 : i32 to index
        %swap3A_428 = tpu.vector_load %arg6[%swap3A_427] {strides = array<i32>} : memref<25600xf32, #tpu.memory_space<vmem>>, vector<16xf32>,
        %swap3A_429 = vector.shape_cast %swap3A_428 : vector<16xf32> to vector<16xf32>
        %swap3A_430 = vector.shape_cast %get3A_426 : vector<16xf32> to vector<16xf32>
        tpu.vector_store %arg6[%swap3A_427], %swap3A_430 {add = true, strides = array<i32>} : memref<25600xf32, #tpu.memory_space<vmem>>, vector<16xf32>,
        %scan3A_431 = arith.constant 7 : i32
        %scan3A_432 = arith.addi %scan3A_329, %scan3A_431 : i32
        %mul3A_433 = arith.constant 1 : i32
        %mul3A_434 = arith.muli %scan3A_432, %mul3A_433 : i32
        %add3A_435 = arith.constant 0 : i32
        %add3A_436 = arith.addi %add3A_435, %mul3A_434 : i32
        %mul3A_437 = arith.constant 16 : i32
        %mul3A_438 = arith.muli %add3A_436, %mul3A_437 : i32
        %get3A_439 = arith.index_cast %mul3A_438 : i32 to index
        %get3A_440 = tpu.vector_load %arg5[%get3A_439] {strides = array<i32>} : memref<25600xf32, #tpu.memory_space<vmem>>, vector<16xf32>,
        %get3A_441 = vector.shape_cast %get3A_440 : vector<16xf32> to vector<16xf32>
        %swap3A_442 = arith.index_cast %mul3A_438 : i32 to index
        %swap3A_443 = tpu.vector_load %arg6[%swap3A_442] {strides = array<i32>} : memref<25600xf32, #tpu.memory_space<vmem>>, vector<16xf32>,
        %swap3A_444 = vector.shape_cast %swap3A_443 : vector<16xf32> to vector<16xf32>
        %swap3A_445 = vector.shape_cast %get3A_441 : vector<16xf32> to vector<16xf32>
        tpu.vector_store %arg6[%swap3A_442], %swap3A_445 {add = true, strides = array<i32>} : memref<25600xf32, #tpu.memory_space<vmem>>, vector<16xf32>,
      }
      %scan3A_212 = arith.constant 1600 : i32
      %add3A_213 = arith.addi %mul3A_2, %add3A_200 : i32
      %mul3A_214 = arith.constant 25600 : i32
      %mul3A_215 = arith.muli %add3A_213, %mul3A_214 : i32
      %dma_start3A_216 = arith.constant 0 : i32
      %dma_start3A_217 = tpu.memref_slice %arg4[%mul3A_215] : memref<104857600xf32, #tpu.memory_space<hbm>> -> memref<25600xf32, #tpu.memory_space<hbm>>
      %dma_start3A_218 = tpu.memref_slice %arg10[%dma_start3A_216] : memref<3x!tpu.dma_semaphore, #tpu.memory_space<semaphore_mem>> -> memref<1x!tpu.dma_semaphore, #tpu.memory_space<semaphore_mem>>
      %dma_start3A_219 = tpu.memref_squeeze %dma_start3A_218 : memref<1x!tpu.dma_semaphore, #tpu.memory_space<semaphore_mem>> -> memref<!tpu.dma_semaphore, #tpu.memory_space<semaphore_mem>>
      %dma_start3A_220 = tpu.memref_slice %arg4[%mul3A_215] : memref<104857600xf32, #tpu.memory_space<hbm>> -> memref<25600xf32, #tpu.memory_space<hbm>>
      tpu.enqueue_dma source(%arg6 : memref<25600xf32, #tpu.memory_space<vmem>>) target(%dma_start3A_220 : memref<25600xf32, #tpu.memory_space<hbm>>) target_semaphore(%dma_start3A_219 : memref<!tpu.dma_semaphore, #tpu.memory_space<semaphore_mem>>)
      %mul3A_221 = arith.constant 25600 : i32
      %mul3A_222 = arith.muli %mul3A_2, %mul3A_221 : i32
      %dma_wait3A_223 = arith.constant 2 : i32
      %dma_wait3A_224 = tpu.memref_slice %arg4[%mul3A_222] : memref<104857600xf32, #tpu.memory_space<hbm>> -> memref<25600xf32, #tpu.memory_space<hbm>>
      %dma_wait3A_225 = tpu.memref_slice %arg10[%dma_wait3A_223] : memref<3x!tpu.dma_semaphore, #tpu.memory_space<semaphore_mem>> -> memref<1x!tpu.dma_semaphore, #tpu.memory_space<semaphore_mem>>
      %dma_wait3A_226 = tpu.memref_squeeze %dma_wait3A_225 : memref<1x!tpu.dma_semaphore, #tpu.memory_space<semaphore_mem>> -> memref<!tpu.dma_semaphore, #tpu.memory_space<semaphore_mem>>
      %dma_wait3A_227 = tpu.memref_slice %arg4[%mul3A_222] : memref<104857600xf32, #tpu.memory_space<hbm>> -> memref<25600xf32, #tpu.memory_space<hbm>>
      tpu.wait_dma2 semaphore(%dma_wait3A_226 : memref<!tpu.dma_semaphore, #tpu.memory_space<semaphore_mem>>) src(%arg8 : memref<25600xf32, #tpu.memory_space<vmem>>) dst(%dma_wait3A_227 : memref<25600xf32, #tpu.memory_space<hbm>>)
      %add3A_228 = arith.constant 3 : i32
      %add3A_229 = arith.addi %add3A_200, %add3A_228 : i32
      %sub3A = arith.constant 1 : i32
      %sub3A_230 = arith.subi %add3A_229, %sub3A : i32
      %add3A_231 = arith.addi %mul3A_2, %sub3A_230 : i32
      %mul3A_232 = arith.constant 25600 : i32
      %mul3A_233 = arith.muli %add3A_231, %mul3A_232 : i32
      %dma_start3A_234 = arith.constant 2 : i32
      %dma_start3A_235 = tpu.memref_slice %arg2[%mul3A_233] : memref<104857600xf32, #tpu.memory_space<hbm>> -> memref<25600xf32, #tpu.memory_space<hbm>>
      %dma_start3A_236 = tpu.memref_slice %arg9[%dma_start3A_234] : memref<3x!tpu.dma_semaphore, #tpu.memory_space<semaphore_mem>> -> memref<1x!tpu.dma_semaphore, #tpu.memory_space<semaphore_mem>>
      %dma_start3A_237 = tpu.memref_squeeze %dma_start3A_236 : memref<1x!tpu.dma_semaphore, #tpu.memory_space<semaphore_mem>> -> memref<!tpu.dma_semaphore, #tpu.memory_space<semaphore_mem>>
      %dma_start3A_238 = tpu.memref_slice %arg2[%mul3A_233] : memref<104857600xf32, #tpu.memory_space<hbm>> -> memref<25600xf32, #tpu.memory_space<hbm>>
      tpu.enqueue_dma source(%dma_start3A_238 : memref<25600xf32, #tpu.memory_space<hbm>>) target(%arg8 : memref<25600xf32, #tpu.memory_space<vmem>>) target_semaphore(%dma_start3A_237 : memref<!tpu.dma_semaphore, #tpu.memory_space<semaphore_mem>>)
      %mul3A_239 = arith.constant 3 : i32
      %mul3A_240 = arith.muli %add3A_194, %mul3A_239 : i32
      %add3A_241 = arith.constant 3 : i32
      %add3A_242 = arith.addi %add3A_241, %mul3A_240 : i32
      %add3A_243 = arith.constant 1 : i32
      %add3A_244 = arith.addi %add3A_242, %add3A_243 : i32
      %mul3A_245 = arith.constant 25600 : i32
      %mul3A_246 = arith.muli %mul3A_2, %mul3A_245 : i32
      %dma_wait3A_247 = arith.constant 1 : i32
      %dma_wait3A_248 = tpu.memref_slice %arg2[%mul3A_246] : memref<104857600xf32, #tpu.memory_space<hbm>> -> memref<25600xf32, #tpu.memory_space<hbm>>
      %dma_wait3A_249 = tpu.memref_slice %arg9[%dma_wait3A_247] : memref<3x!tpu.dma_semaphore, #tpu.memory_space<semaphore_mem>> -> memref<1x!tpu.dma_semaphore, #tpu.memory_space<semaphore_mem>>
      %dma_wait3A_250 = tpu.memref_squeeze %dma_wait3A_249 : memref<1x!tpu.dma_semaphore, #tpu.memory_space<semaphore_mem>> -> memref<!tpu.dma_semaphore, #tpu.memory_space<semaphore_mem>>
      %dma_wait3A_251 = tpu.memref_slice %arg2[%mul3A_246] : memref<104857600xf32, #tpu.memory_space<hbm>> -> memref<25600xf32, #tpu.memory_space<hbm>>
      tpu.wait_dma2 semaphore(%dma_wait3A_250 : memref<!tpu.dma_semaphore, #tpu.memory_space<semaphore_mem>>) src(%dma_wait3A_251 : memref<25600xf32, #tpu.memory_space<hbm>>) dst(%arg7 : memref<25600xf32, #tpu.memory_space<vmem>>)
      %scan3A_252 = arith.constant 0 : i32
      %scan3A_253 = arith.constant 1600 : i32
      %scan3A_254 = arith.addi %scan3A_252, %scan3A_253 : i32
      %scan3A_255 = arith.constant 8 : i32
      scf.for %scan3A_329 = %scan3A_252 to %scan3A_254 step %scan3A_255  : i32 {
        %mul3A_330 = arith.constant 1 : i32
        %mul3A_331 = arith.muli %scan3A_329, %mul3A_330 : i32
        %add3A_332 = arith.constant 0 : i32
        %add3A_333 = arith.addi %add3A_332, %mul3A_331 : i32
        %mul3A_334 = arith.constant 16 : i32
        %mul3A_335 = arith.muli %add3A_333, %mul3A_334 : i32
        %get3A = arith.index_cast %mul3A_335 : i32 to index
        %get3A_336 = tpu.vector_load %arg5[%get3A] {strides = array<i32>} : memref<25600xf32, #tpu.memory_space<vmem>>, vector<16xf32>,
        %get3A_337 = vector.shape_cast %get3A_336 : vector<16xf32> to vector<16xf32>
        %swap3A = arith.index_cast %mul3A_335 : i32 to index
        %swap3A_338 = tpu.vector_load %arg7[%swap3A] {strides = array<i32>} : memref<25600xf32, #tpu.memory_space<vmem>>, vector<16xf32>,
        %swap3A_339 = vector.shape_cast %swap3A_338 : vector<16xf32> to vector<16xf32>
        %swap3A_340 = vector.shape_cast %get3A_337 : vector<16xf32> to vector<16xf32>
        tpu.vector_store %arg7[%swap3A], %swap3A_340 {add = true, strides = array<i32>} : memref<25600xf32, #tpu.memory_space<vmem>>, vector<16xf32>,
        %scan3A_341 = arith.constant 1 : i32
        %scan3A_342 = arith.addi %scan3A_329, %scan3A_341 : i32
        %mul3A_343 = arith.constant 1 : i32
        %mul3A_344 = arith.muli %scan3A_342, %mul3A_343 : i32
        %add3A_345 = arith.constant 0 : i32
        %add3A_346 = arith.addi %add3A_345, %mul3A_344 : i32
        %mul3A_347 = arith.constant 16 : i32
        %mul3A_348 = arith.muli %add3A_346, %mul3A_347 : i32
        %get3A_349 = arith.index_cast %mul3A_348 : i32 to index
        %get3A_350 = tpu.vector_load %arg5[%get3A_349] {strides = array<i32>} : memref<25600xf32, #tpu.memory_space<vmem>>, vector<16xf32>,
        %get3A_351 = vector.shape_cast %get3A_350 : vector<16xf32> to vector<16xf32>
        %swap3A_352 = arith.index_cast %mul3A_348 : i32 to index
        %swap3A_353 = tpu.vector_load %arg7[%swap3A_352] {strides = array<i32>} : memref<25600xf32, #tpu.memory_space<vmem>>, vector<16xf32>,
        %swap3A_354 = vector.shape_cast %swap3A_353 : vector<16xf32> to vector<16xf32>
        %swap3A_355 = vector.shape_cast %get3A_351 : vector<16xf32> to vector<16xf32>
        tpu.vector_store %arg7[%swap3A_352], %swap3A_355 {add = true, strides = array<i32>} : memref<25600xf32, #tpu.memory_space<vmem>>, vector<16xf32>,
        %scan3A_356 = arith.constant 2 : i32
        %scan3A_357 = arith.addi %scan3A_329, %scan3A_356 : i32
        %mul3A_358 = arith.constant 1 : i32
        %mul3A_359 = arith.muli %scan3A_357, %mul3A_358 : i32
        %add3A_360 = arith.constant 0 : i32
        %add3A_361 = arith.addi %add3A_360, %mul3A_359 : i32
        %mul3A_362 = arith.constant 16 : i32
        %mul3A_363 = arith.muli %add3A_361, %mul3A_362 : i32
        %get3A_364 = arith.index_cast %mul3A_363 : i32 to index
        %get3A_365 = tpu.vector_load %arg5[%get3A_364] {strides = array<i32>} : memref<25600xf32, #tpu.memory_space<vmem>>, vector<16xf32>,
        %get3A_366 = vector.shape_cast %get3A_365 : vector<16xf32> to vector<16xf32>
        %swap3A_367 = arith.index_cast %mul3A_363 : i32 to index
        %swap3A_368 = tpu.vector_load %arg7[%swap3A_367] {strides = array<i32>} : memref<25600xf32, #tpu.memory_space<vmem>>, vector<16xf32>,
        %swap3A_369 = vector.shape_cast %swap3A_368 : vector<16xf32> to vector<16xf32>
        %swap3A_370 = vector.shape_cast %get3A_366 : vector<16xf32> to vector<16xf32>
        tpu.vector_store %arg7[%swap3A_367], %swap3A_370 {add = true, strides = array<i32>} : memref<25600xf32, #tpu.memory_space<vmem>>, vector<16xf32>,
        %scan3A_371 = arith.constant 3 : i32
        %scan3A_372 = arith.addi %scan3A_329, %scan3A_371 : i32
        %mul3A_373 = arith.constant 1 : i32
        %mul3A_374 = arith.muli %scan3A_372, %mul3A_373 : i32
        %add3A_375 = arith.constant 0 : i32
        %add3A_376 = arith.addi %add3A_375, %mul3A_374 : i32
        %mul3A_377 = arith.constant 16 : i32
        %mul3A_378 = arith.muli %add3A_376, %mul3A_377 : i32
        %get3A_379 = arith.index_cast %mul3A_378 : i32 to index
        %get3A_380 = tpu.vector_load %arg5[%get3A_379] {strides = array<i32>} : memref<25600xf32, #tpu.memory_space<vmem>>, vector<16xf32>,
        %get3A_381 = vector.shape_cast %get3A_380 : vector<16xf32> to vector<16xf32>
        %swap3A_382 = arith.index_cast %mul3A_378 : i32 to index
        %swap3A_383 = tpu.vector_load %arg7[%swap3A_382] {strides = array<i32>} : memref<25600xf32, #tpu.memory_space<vmem>>, vector<16xf32>,
        %swap3A_384 = vector.shape_cast %swap3A_383 : vector<16xf32> to vector<16xf32>
        %swap3A_385 = vector.shape_cast %get3A_381 : vector<16xf32> to vector<16xf32>
        tpu.vector_store %arg7[%swap3A_382], %swap3A_385 {add = true, strides = array<i32>} : memref<25600xf32, #tpu.memory_space<vmem>>, vector<16xf32>,
        %scan3A_386 = arith.constant 4 : i32
        %scan3A_387 = arith.addi %scan3A_329, %scan3A_386 : i32
        %mul3A_388 = arith.constant 1 : i32
        %mul3A_389 = arith.muli %scan3A_387, %mul3A_388 : i32
        %add3A_390 = arith.constant 0 : i32
        %add3A_391 = arith.addi %add3A_390, %mul3A_389 : i32
        %mul3A_392 = arith.constant 16 : i32
        %mul3A_393 = arith.muli %add3A_391, %mul3A_392 : i32
        %get3A_394 = arith.index_cast %mul3A_393 : i32 to index
        %get3A_395 = tpu.vector_load %arg5[%get3A_394] {strides = array<i32>} : memref<25600xf32, #tpu.memory_space<vmem>>, vector<16xf32>,
        %get3A_396 = vector.shape_cast %get3A_395 : vector<16xf32> to vector<16xf32>
        %swap3A_397 = arith.index_cast %mul3A_393 : i32 to index
        %swap3A_398 = tpu.vector_load %arg7[%swap3A_397] {strides = array<i32>} : memref<25600xf32, #tpu.memory_space<vmem>>, vector<16xf32>,
        %swap3A_399 = vector.shape_cast %swap3A_398 : vector<16xf32> to vector<16xf32>
        %swap3A_400 = vector.shape_cast %get3A_396 : vector<16xf32> to vector<16xf32>
        tpu.vector_store %arg7[%swap3A_397], %swap3A_400 {add = true, strides = array<i32>} : memref<25600xf32, #tpu.memory_space<vmem>>, vector<16xf32>,
        %scan3A_401 = arith.constant 5 : i32
        %scan3A_402 = arith.addi %scan3A_329, %scan3A_401 : i32
        %mul3A_403 = arith.constant 1 : i32
        %mul3A_404 = arith.muli %scan3A_402, %mul3A_403 : i32
        %add3A_405 = arith.constant 0 : i32
        %add3A_406 = arith.addi %add3A_405, %mul3A_404 : i32
        %mul3A_407 = arith.constant 16 : i32
        %mul3A_408 = arith.muli %add3A_406, %mul3A_407 : i32
        %get3A_409 = arith.index_cast %mul3A_408 : i32 to index
        %get3A_410 = tpu.vector_load %arg5[%get3A_409] {strides = array<i32>} : memref<25600xf32, #tpu.memory_space<vmem>>, vector<16xf32>,
        %get3A_411 = vector.shape_cast %get3A_410 : vector<16xf32> to vector<16xf32>
        %swap3A_412 = arith.index_cast %mul3A_408 : i32 to index
        %swap3A_413 = tpu.vector_load %arg7[%swap3A_412] {strides = array<i32>} : memref<25600xf32, #tpu.memory_space<vmem>>, vector<16xf32>,
        %swap3A_414 = vector.shape_cast %swap3A_413 : vector<16xf32> to vector<16xf32>
        %swap3A_415 = vector.shape_cast %get3A_411 : vector<16xf32> to vector<16xf32>
        tpu.vector_store %arg7[%swap3A_412], %swap3A_415 {add = true, strides = array<i32>} : memref<25600xf32, #tpu.memory_space<vmem>>, vector<16xf32>,
        %scan3A_416 = arith.constant 6 : i32
        %scan3A_417 = arith.addi %scan3A_329, %scan3A_416 : i32
        %mul3A_418 = arith.constant 1 : i32
        %mul3A_419 = arith.muli %scan3A_417, %mul3A_418 : i32
        %add3A_420 = arith.constant 0 : i32
        %add3A_421 = arith.addi %add3A_420, %mul3A_419 : i32
        %mul3A_422 = arith.constant 16 : i32
        %mul3A_423 = arith.muli %add3A_421, %mul3A_422 : i32
        %get3A_424 = arith.index_cast %mul3A_423 : i32 to index
        %get3A_425 = tpu.vector_load %arg5[%get3A_424] {strides = array<i32>} : memref<25600xf32, #tpu.memory_space<vmem>>, vector<16xf32>,
        %get3A_426 = vector.shape_cast %get3A_425 : vector<16xf32> to vector<16xf32>
        %swap3A_427 = arith.index_cast %mul3A_423 : i32 to index
        %swap3A_428 = tpu.vector_load %arg7[%swap3A_427] {strides = array<i32>} : memref<25600xf32, #tpu.memory_space<vmem>>, vector<16xf32>,
        %swap3A_429 = vector.shape_cast %swap3A_428 : vector<16xf32> to vector<16xf32>
        %swap3A_430 = vector.shape_cast %get3A_426 : vector<16xf32> to vector<16xf32>
        tpu.vector_store %arg7[%swap3A_427], %swap3A_430 {add = true, strides = array<i32>} : memref<25600xf32, #tpu.memory_space<vmem>>, vector<16xf32>,
        %scan3A_431 = arith.constant 7 : i32
        %scan3A_432 = arith.addi %scan3A_329, %scan3A_431 : i32
        %mul3A_433 = arith.constant 1 : i32
        %mul3A_434 = arith.muli %scan3A_432, %mul3A_433 : i32
        %add3A_435 = arith.constant 0 : i32
        %add3A_436 = arith.addi %add3A_435, %mul3A_434 : i32
        %mul3A_437 = arith.constant 16 : i32
        %mul3A_438 = arith.muli %add3A_436, %mul3A_437 : i32
        %get3A_439 = arith.index_cast %mul3A_438 : i32 to index
        %get3A_440 = tpu.vector_load %arg5[%get3A_439] {strides = array<i32>} : memref<25600xf32, #tpu.memory_space<vmem>>, vector<16xf32>,
        %get3A_441 = vector.shape_cast %get3A_440 : vector<16xf32> to vector<16xf32>
        %swap3A_442 = arith.index_cast %mul3A_438 : i32 to index
        %swap3A_443 = tpu.vector_load %arg7[%swap3A_442] {strides = array<i32>} : memref<25600xf32, #tpu.memory_space<vmem>>, vector<16xf32>,
        %swap3A_444 = vector.shape_cast %swap3A_443 : vector<16xf32> to vector<16xf32>
        %swap3A_445 = vector.shape_cast %get3A_441 : vector<16xf32> to vector<16xf32>
        tpu.vector_store %arg7[%swap3A_442], %swap3A_445 {add = true, strides = array<i32>} : memref<25600xf32, #tpu.memory_space<vmem>>, vector<16xf32>,
      }
      %scan3A_256 = arith.constant 1600 : i32
      %add3A_257 = arith.addi %mul3A_2, %add3A_244 : i32
      %mul3A_258 = arith.constant 25600 : i32
      %mul3A_259 = arith.muli %add3A_257, %mul3A_258 : i32
      %dma_start3A_260 = arith.constant 1 : i32
      %dma_start3A_261 = tpu.memref_slice %arg4[%mul3A_259] : memref<104857600xf32, #tpu.memory_space<hbm>> -> memref<25600xf32, #tpu.memory_space<hbm>>
      %dma_start3A_262 = tpu.memref_slice %arg10[%dma_start3A_260] : memref<3x!tpu.dma_semaphore, #tpu.memory_space<semaphore_mem>> -> memref<1x!tpu.dma_semaphore, #tpu.memory_space<semaphore_mem>>
      %dma_start3A_263 = tpu.memref_squeeze %dma_start3A_262 : memref<1x!tpu.dma_semaphore, #tpu.memory_space<semaphore_mem>> -> memref<!tpu.dma_semaphore, #tpu.memory_space<semaphore_mem>>
      %dma_start3A_264 = tpu.memref_slice %arg4[%mul3A_259] : memref<104857600xf32, #tpu.memory_space<hbm>> -> memref<25600xf32, #tpu.memory_space<hbm>>
      tpu.enqueue_dma source(%arg7 : memref<25600xf32, #tpu.memory_space<vmem>>) target(%dma_start3A_264 : memref<25600xf32, #tpu.memory_space<hbm>>) target_semaphore(%dma_start3A_263 : memref<!tpu.dma_semaphore, #tpu.memory_space<semaphore_mem>>)
      %mul3A_265 = arith.constant 25600 : i32
      %mul3A_266 = arith.muli %mul3A_2, %mul3A_265 : i32
      %dma_wait3A_267 = arith.constant 0 : i32
      %dma_wait3A_268 = tpu.memref_slice %arg4[%mul3A_266] : memref<104857600xf32, #tpu.memory_space<hbm>> -> memref<25600xf32, #tpu.memory_space<hbm>>
      %dma_wait3A_269 = tpu.memref_slice %arg10[%dma_wait3A_267] : memref<3x!tpu.dma_semaphore, #tpu.memory_space<semaphore_mem>> -> memref<1x!tpu.dma_semaphore, #tpu.memory_space<semaphore_mem>>
      %dma_wait3A_270 = tpu.memref_squeeze %dma_wait3A_269 : memref<1x!tpu.dma_semaphore, #tpu.memory_space<semaphore_mem>> -> memref<!tpu.dma_semaphore, #tpu.memory_space<semaphore_mem>>
      %dma_wait3A_271 = tpu.memref_slice %arg4[%mul3A_266] : memref<104857600xf32, #tpu.memory_space<hbm>> -> memref<25600xf32, #tpu.memory_space<hbm>>
      tpu.wait_dma2 semaphore(%dma_wait3A_270 : memref<!tpu.dma_semaphore, #tpu.memory_space<semaphore_mem>>) src(%arg6 : memref<25600xf32, #tpu.memory_space<vmem>>) dst(%dma_wait3A_271 : memref<25600xf32, #tpu.memory_space<hbm>>)
      %add3A_272 = arith.constant 3 : i32
      %add3A_273 = arith.addi %add3A_244, %add3A_272 : i32
      %sub3A_274 = arith.constant 1 : i32
      %sub3A_275 = arith.subi %add3A_273, %sub3A_274 : i32
      %add3A_276 = arith.addi %mul3A_2, %sub3A_275 : i32
      %mul3A_277 = arith.constant 25600 : i32
      %mul3A_278 = arith.muli %add3A_276, %mul3A_277 : i32
      %dma_start3A_279 = arith.constant 0 : i32
      %dma_start3A_280 = tpu.memref_slice %arg2[%mul3A_278] : memref<104857600xf32, #tpu.memory_space<hbm>> -> memref<25600xf32, #tpu.memory_space<hbm>>
      %dma_start3A_281 = tpu.memref_slice %arg9[%dma_start3A_279] : memref<3x!tpu.dma_semaphore, #tpu.memory_space<semaphore_mem>> -> memref<1x!tpu.dma_semaphore, #tpu.memory_space<semaphore_mem>>
      %dma_start3A_282 = tpu.memref_squeeze %dma_start3A_281 : memref<1x!tpu.dma_semaphore, #tpu.memory_space<semaphore_mem>> -> memref<!tpu.dma_semaphore, #tpu.memory_space<semaphore_mem>>
      %dma_start3A_283 = tpu.memref_slice %arg2[%mul3A_278] : memref<104857600xf32, #tpu.memory_space<hbm>> -> memref<25600xf32, #tpu.memory_space<hbm>>
      tpu.enqueue_dma source(%dma_start3A_283 : memref<25600xf32, #tpu.memory_space<hbm>>) target(%arg6 : memref<25600xf32, #tpu.memory_space<vmem>>) target_semaphore(%dma_start3A_282 : memref<!tpu.dma_semaphore, #tpu.memory_space<semaphore_mem>>)
      %mul3A_284 = arith.constant 3 : i32
      %mul3A_285 = arith.muli %add3A_194, %mul3A_284 : i32
      %add3A_286 = arith.constant 3 : i32
      %add3A_287 = arith.addi %add3A_286, %mul3A_285 : i32
      %add3A_288 = arith.constant 2 : i32
      %add3A_289 = arith.addi %add3A_287, %add3A_288 : i32
      %mul3A_290 = arith.constant 25600 : i32
      %mul3A_291 = arith.muli %mul3A_2, %mul3A_290 : i32
      %dma_wait3A_292 = arith.constant 2 : i32
      %dma_wait3A_293 = tpu.memref_slice %arg2[%mul3A_291] : memref<104857600xf32, #tpu.memory_space<hbm>> -> memref<25600xf32, #tpu.memory_space<hbm>>
      %dma_wait3A_294 = tpu.memref_slice %arg9[%dma_wait3A_292] : memref<3x!tpu.dma_semaphore, #tpu.memory_space<semaphore_mem>> -> memref<1x!tpu.dma_semaphore, #tpu.memory_space<semaphore_mem>>
      %dma_wait3A_295 = tpu.memref_squeeze %dma_wait3A_294 : memref<1x!tpu.dma_semaphore, #tpu.memory_space<semaphore_mem>> -> memref<!tpu.dma_semaphore, #tpu.memory_space<semaphore_mem>>
      %dma_wait3A_296 = tpu.memref_slice %arg2[%mul3A_291] : memref<104857600xf32, #tpu.memory_space<hbm>> -> memref<25600xf32, #tpu.memory_space<hbm>>
      tpu.wait_dma2 semaphore(%dma_wait3A_295 : memref<!tpu.dma_semaphore, #tpu.memory_space<semaphore_mem>>) src(%dma_wait3A_296 : memref<25600xf32, #tpu.memory_space<hbm>>) dst(%arg8 : memref<25600xf32, #tpu.memory_space<vmem>>)
      %scan3A_297 = arith.constant 0 : i32
      %scan3A_298 = arith.constant 1600 : i32
      %scan3A_299 = arith.addi %scan3A_297, %scan3A_298 : i32
      %scan3A_300 = arith.constant 8 : i32
      scf.for %scan3A_329 = %scan3A_297 to %scan3A_299 step %scan3A_300  : i32 {
        %mul3A_330 = arith.constant 1 : i32
        %mul3A_331 = arith.muli %scan3A_329, %mul3A_330 : i32
        %add3A_332 = arith.constant 0 : i32
        %add3A_333 = arith.addi %add3A_332, %mul3A_331 : i32
        %mul3A_334 = arith.constant 16 : i32
        %mul3A_335 = arith.muli %add3A_333, %mul3A_334 : i32
        %get3A = arith.index_cast %mul3A_335 : i32 to index
        %get3A_336 = tpu.vector_load %arg5[%get3A] {strides = array<i32>} : memref<25600xf32, #tpu.memory_space<vmem>>, vector<16xf32>,
        %get3A_337 = vector.shape_cast %get3A_336 : vector<16xf32> to vector<16xf32>
        %swap3A = arith.index_cast %mul3A_335 : i32 to index
        %swap3A_338 = tpu.vector_load %arg8[%swap3A] {strides = array<i32>} : memref<25600xf32, #tpu.memory_space<vmem>>, vector<16xf32>,
        %swap3A_339 = vector.shape_cast %swap3A_338 : vector<16xf32> to vector<16xf32>
        %swap3A_340 = vector.shape_cast %get3A_337 : vector<16xf32> to vector<16xf32>
        tpu.vector_store %arg8[%swap3A], %swap3A_340 {add = true, strides = array<i32>} : memref<25600xf32, #tpu.memory_space<vmem>>, vector<16xf32>,
        %scan3A_341 = arith.constant 1 : i32
        %scan3A_342 = arith.addi %scan3A_329, %scan3A_341 : i32
        %mul3A_343 = arith.constant 1 : i32
        %mul3A_344 = arith.muli %scan3A_342, %mul3A_343 : i32
        %add3A_345 = arith.constant 0 : i32
        %add3A_346 = arith.addi %add3A_345, %mul3A_344 : i32
        %mul3A_347 = arith.constant 16 : i32
        %mul3A_348 = arith.muli %add3A_346, %mul3A_347 : i32
        %get3A_349 = arith.index_cast %mul3A_348 : i32 to index
        %get3A_350 = tpu.vector_load %arg5[%get3A_349] {strides = array<i32>} : memref<25600xf32, #tpu.memory_space<vmem>>, vector<16xf32>,
        %get3A_351 = vector.shape_cast %get3A_350 : vector<16xf32> to vector<16xf32>
        %swap3A_352 = arith.index_cast %mul3A_348 : i32 to index
        %swap3A_353 = tpu.vector_load %arg8[%swap3A_352] {strides = array<i32>} : memref<25600xf32, #tpu.memory_space<vmem>>, vector<16xf32>,
        %swap3A_354 = vector.shape_cast %swap3A_353 : vector<16xf32> to vector<16xf32>
        %swap3A_355 = vector.shape_cast %get3A_351 : vector<16xf32> to vector<16xf32>
        tpu.vector_store %arg8[%swap3A_352], %swap3A_355 {add = true, strides = array<i32>} : memref<25600xf32, #tpu.memory_space<vmem>>, vector<16xf32>,
        %scan3A_356 = arith.constant 2 : i32
        %scan3A_357 = arith.addi %scan3A_329, %scan3A_356 : i32
        %mul3A_358 = arith.constant 1 : i32
        %mul3A_359 = arith.muli %scan3A_357, %mul3A_358 : i32
        %add3A_360 = arith.constant 0 : i32
        %add3A_361 = arith.addi %add3A_360, %mul3A_359 : i32
        %mul3A_362 = arith.constant 16 : i32
        %mul3A_363 = arith.muli %add3A_361, %mul3A_362 : i32
        %get3A_364 = arith.index_cast %mul3A_363 : i32 to index
        %get3A_365 = tpu.vector_load %arg5[%get3A_364] {strides = array<i32>} : memref<25600xf32, #tpu.memory_space<vmem>>, vector<16xf32>,
        %get3A_366 = vector.shape_cast %get3A_365 : vector<16xf32> to vector<16xf32>
        %swap3A_367 = arith.index_cast %mul3A_363 : i32 to index
        %swap3A_368 = tpu.vector_load %arg8[%swap3A_367] {strides = array<i32>} : memref<25600xf32, #tpu.memory_space<vmem>>, vector<16xf32>,
        %swap3A_369 = vector.shape_cast %swap3A_368 : vector<16xf32> to vector<16xf32>
        %swap3A_370 = vector.shape_cast %get3A_366 : vector<16xf32> to vector<16xf32>
        tpu.vector_store %arg8[%swap3A_367], %swap3A_370 {add = true, strides = array<i32>} : memref<25600xf32, #tpu.memory_space<vmem>>, vector<16xf32>,
        %scan3A_371 = arith.constant 3 : i32
        %scan3A_372 = arith.addi %scan3A_329, %scan3A_371 : i32
        %mul3A_373 = arith.constant 1 : i32
        %mul3A_374 = arith.muli %scan3A_372, %mul3A_373 : i32
        %add3A_375 = arith.constant 0 : i32
        %add3A_376 = arith.addi %add3A_375, %mul3A_374 : i32
        %mul3A_377 = arith.constant 16 : i32
        %mul3A_378 = arith.muli %add3A_376, %mul3A_377 : i32
        %get3A_379 = arith.index_cast %mul3A_378 : i32 to index
        %get3A_380 = tpu.vector_load %arg5[%get3A_379] {strides = array<i32>} : memref<25600xf32, #tpu.memory_space<vmem>>, vector<16xf32>,
        %get3A_381 = vector.shape_cast %get3A_380 : vector<16xf32> to vector<16xf32>
        %swap3A_382 = arith.index_cast %mul3A_378 : i32 to index
        %swap3A_383 = tpu.vector_load %arg8[%swap3A_382] {strides = array<i32>} : memref<25600xf32, #tpu.memory_space<vmem>>, vector<16xf32>,
        %swap3A_384 = vector.shape_cast %swap3A_383 : vector<16xf32> to vector<16xf32>
        %swap3A_385 = vector.shape_cast %get3A_381 : vector<16xf32> to vector<16xf32>
        tpu.vector_store %arg8[%swap3A_382], %swap3A_385 {add = true, strides = array<i32>} : memref<25600xf32, #tpu.memory_space<vmem>>, vector<16xf32>,
        %scan3A_386 = arith.constant 4 : i32
        %scan3A_387 = arith.addi %scan3A_329, %scan3A_386 : i32
        %mul3A_388 = arith.constant 1 : i32
        %mul3A_389 = arith.muli %scan3A_387, %mul3A_388 : i32
        %add3A_390 = arith.constant 0 : i32
        %add3A_391 = arith.addi %add3A_390, %mul3A_389 : i32
        %mul3A_392 = arith.constant 16 : i32
        %mul3A_393 = arith.muli %add3A_391, %mul3A_392 : i32
        %get3A_394 = arith.index_cast %mul3A_393 : i32 to index
        %get3A_395 = tpu.vector_load %arg5[%get3A_394] {strides = array<i32>} : memref<25600xf32, #tpu.memory_space<vmem>>, vector<16xf32>,
        %get3A_396 = vector.shape_cast %get3A_395 : vector<16xf32> to vector<16xf32>
        %swap3A_397 = arith.index_cast %mul3A_393 : i32 to index
        %swap3A_398 = tpu.vector_load %arg8[%swap3A_397] {strides = array<i32>} : memref<25600xf32, #tpu.memory_space<vmem>>, vector<16xf32>,
        %swap3A_399 = vector.shape_cast %swap3A_398 : vector<16xf32> to vector<16xf32>
        %swap3A_400 = vector.shape_cast %get3A_396 : vector<16xf32> to vector<16xf32>
        tpu.vector_store %arg8[%swap3A_397], %swap3A_400 {add = true, strides = array<i32>} : memref<25600xf32, #tpu.memory_space<vmem>>, vector<16xf32>,
        %scan3A_401 = arith.constant 5 : i32
        %scan3A_402 = arith.addi %scan3A_329, %scan3A_401 : i32
        %mul3A_403 = arith.constant 1 : i32
        %mul3A_404 = arith.muli %scan3A_402, %mul3A_403 : i32
        %add3A_405 = arith.constant 0 : i32
        %add3A_406 = arith.addi %add3A_405, %mul3A_404 : i32
        %mul3A_407 = arith.constant 16 : i32
        %mul3A_408 = arith.muli %add3A_406, %mul3A_407 : i32
        %get3A_409 = arith.index_cast %mul3A_408 : i32 to index
        %get3A_410 = tpu.vector_load %arg5[%get3A_409] {strides = array<i32>} : memref<25600xf32, #tpu.memory_space<vmem>>, vector<16xf32>,
        %get3A_411 = vector.shape_cast %get3A_410 : vector<16xf32> to vector<16xf32>
        %swap3A_412 = arith.index_cast %mul3A_408 : i32 to index
        %swap3A_413 = tpu.vector_load %arg8[%swap3A_412] {strides = array<i32>} : memref<25600xf32, #tpu.memory_space<vmem>>, vector<16xf32>,
        %swap3A_414 = vector.shape_cast %swap3A_413 : vector<16xf32> to vector<16xf32>
        %swap3A_415 = vector.shape_cast %get3A_411 : vector<16xf32> to vector<16xf32>
        tpu.vector_store %arg8[%swap3A_412], %swap3A_415 {add = true, strides = array<i32>} : memref<25600xf32, #tpu.memory_space<vmem>>, vector<16xf32>,
        %scan3A_416 = arith.constant 6 : i32
        %scan3A_417 = arith.addi %scan3A_329, %scan3A_416 : i32
        %mul3A_418 = arith.constant 1 : i32
        %mul3A_419 = arith.muli %scan3A_417, %mul3A_418 : i32
        %add3A_420 = arith.constant 0 : i32
        %add3A_421 = arith.addi %add3A_420, %mul3A_419 : i32
        %mul3A_422 = arith.constant 16 : i32
        %mul3A_423 = arith.muli %add3A_421, %mul3A_422 : i32
        %get3A_424 = arith.index_cast %mul3A_423 : i32 to index
        %get3A_425 = tpu.vector_load %arg5[%get3A_424] {strides = array<i32>} : memref<25600xf32, #tpu.memory_space<vmem>>, vector<16xf32>,
        %get3A_426 = vector.shape_cast %get3A_425 : vector<16xf32> to vector<16xf32>
        %swap3A_427 = arith.index_cast %mul3A_423 : i32 to index
        %swap3A_428 = tpu.vector_load %arg8[%swap3A_427] {strides = array<i32>} : memref<25600xf32, #tpu.memory_space<vmem>>, vector<16xf32>,
        %swap3A_429 = vector.shape_cast %swap3A_428 : vector<16xf32> to vector<16xf32>
        %swap3A_430 = vector.shape_cast %get3A_426 : vector<16xf32> to vector<16xf32>
        tpu.vector_store %arg8[%swap3A_427], %swap3A_430 {add = true, strides = array<i32>} : memref<25600xf32, #tpu.memory_space<vmem>>, vector<16xf32>,
        %scan3A_431 = arith.constant 7 : i32
        %scan3A_432 = arith.addi %scan3A_329, %scan3A_431 : i32
        %mul3A_433 = arith.constant 1 : i32
        %mul3A_434 = arith.muli %scan3A_432, %mul3A_433 : i32
        %add3A_435 = arith.constant 0 : i32
        %add3A_436 = arith.addi %add3A_435, %mul3A_434 : i32
        %mul3A_437 = arith.constant 16 : i32
        %mul3A_438 = arith.muli %add3A_436, %mul3A_437 : i32
        %get3A_439 = arith.index_cast %mul3A_438 : i32 to index
        %get3A_440 = tpu.vector_load %arg5[%get3A_439] {strides = array<i32>} : memref<25600xf32, #tpu.memory_space<vmem>>, vector<16xf32>,
        %get3A_441 = vector.shape_cast %get3A_440 : vector<16xf32> to vector<16xf32>
        %swap3A_442 = arith.index_cast %mul3A_438 : i32 to index
        %swap3A_443 = tpu.vector_load %arg8[%swap3A_442] {strides = array<i32>} : memref<25600xf32, #tpu.memory_space<vmem>>, vector<16xf32>,
        %swap3A_444 = vector.shape_cast %swap3A_443 : vector<16xf32> to vector<16xf32>
        %swap3A_445 = vector.shape_cast %get3A_441 : vector<16xf32> to vector<16xf32>
        tpu.vector_store %arg8[%swap3A_442], %swap3A_445 {add = true, strides = array<i32>} : memref<25600xf32, #tpu.memory_space<vmem>>, vector<16xf32>,
      }
      %scan3A_301 = arith.constant 1600 : i32
      %add3A_302 = arith.addi %mul3A_2, %add3A_289 : i32
      %mul3A_303 = arith.constant 25600 : i32
      %mul3A_304 = arith.muli %add3A_302, %mul3A_303 : i32
      %dma_start3A_305 = arith.constant 2 : i32
      %dma_start3A_306 = tpu.memref_slice %arg4[%mul3A_304] : memref<104857600xf32, #tpu.memory_space<hbm>> -> memref<25600xf32, #tpu.memory_space<hbm>>
      %dma_start3A_307 = tpu.memref_slice %arg10[%dma_start3A_305] : memref<3x!tpu.dma_semaphore, #tpu.memory_space<semaphore_mem>> -> memref<1x!tpu.dma_semaphore, #tpu.memory_space<semaphore_mem>>
      %dma_start3A_308 = tpu.memref_squeeze %dma_start3A_307 : memref<1x!tpu.dma_semaphore, #tpu.memory_space<semaphore_mem>> -> memref<!tpu.dma_semaphore, #tpu.memory_space<semaphore_mem>>
      %dma_start3A_309 = tpu.memref_slice %arg4[%mul3A_304] : memref<104857600xf32, #tpu.memory_space<hbm>> -> memref<25600xf32, #tpu.memory_space<hbm>>
      tpu.enqueue_dma source(%arg8 : memref<25600xf32, #tpu.memory_space<vmem>>) target(%dma_start3A_309 : memref<25600xf32, #tpu.memory_space<hbm>>) target_semaphore(%dma_start3A_308 : memref<!tpu.dma_semaphore, #tpu.memory_space<semaphore_mem>>)
      %mul3A_310 = arith.constant 25600 : i32
      %mul3A_311 = arith.muli %mul3A_2, %mul3A_310 : i32
      %dma_wait3A_312 = arith.constant 1 : i32
      %dma_wait3A_313 = tpu.memref_slice %arg4[%mul3A_311] : memref<104857600xf32, #tpu.memory_space<hbm>> -> memref<25600xf32, #tpu.memory_space<hbm>>
      %dma_wait3A_314 = tpu.memref_slice %arg10[%dma_wait3A_312] : memref<3x!tpu.dma_semaphore, #tpu.memory_space<semaphore_mem>> -> memref<1x!tpu.dma_semaphore, #tpu.memory_space<semaphore_mem>>
      %dma_wait3A_315 = tpu.memref_squeeze %dma_wait3A_314 : memref<1x!tpu.dma_semaphore, #tpu.memory_space<semaphore_mem>> -> memref<!tpu.dma_semaphore, #tpu.memory_space<semaphore_mem>>
      %dma_wait3A_316 = tpu.memref_slice %arg4[%mul3A_311] : memref<104857600xf32, #tpu.memory_space<hbm>> -> memref<25600xf32, #tpu.memory_space<hbm>>
      tpu.wait_dma2 semaphore(%dma_wait3A_315 : memref<!tpu.dma_semaphore, #tpu.memory_space<semaphore_mem>>) src(%arg7 : memref<25600xf32, #tpu.memory_space<vmem>>) dst(%dma_wait3A_316 : memref<25600xf32, #tpu.memory_space<hbm>>)
      %add3A_317 = arith.constant 3 : i32
      %add3A_318 = arith.addi %add3A_289, %add3A_317 : i32
      %sub3A_319 = arith.constant 1 : i32
      %sub3A_320 = arith.subi %add3A_318, %sub3A_319 : i32
      %add3A_321 = arith.addi %mul3A_2, %sub3A_320 : i32
      %mul3A_322 = arith.constant 25600 : i32
      %mul3A_323 = arith.muli %add3A_321, %mul3A_322 : i32
      %dma_start3A_324 = arith.constant 1 : i32
      %dma_start3A_325 = tpu.memref_slice %arg2[%mul3A_323] : memref<104857600xf32, #tpu.memory_space<hbm>> -> memref<25600xf32, #tpu.memory_space<hbm>>
      %dma_start3A_326 = tpu.memref_slice %arg9[%dma_start3A_324] : memref<3x!tpu.dma_semaphore, #tpu.memory_space<semaphore_mem>> -> memref<1x!tpu.dma_semaphore, #tpu.memory_space<semaphore_mem>>
      %dma_start3A_327 = tpu.memref_squeeze %dma_start3A_326 : memref<1x!tpu.dma_semaphore, #tpu.memory_space<semaphore_mem>> -> memref<!tpu.dma_semaphore, #tpu.memory_space<semaphore_mem>>
      %dma_start3A_328 = tpu.memref_slice %arg2[%mul3A_323] : memref<104857600xf32, #tpu.memory_space<hbm>> -> memref<25600xf32, #tpu.memory_space<hbm>>
      tpu.enqueue_dma source(%dma_start3A_328 : memref<25600xf32, #tpu.memory_space<hbm>>) target(%arg7 : memref<25600xf32, #tpu.memory_space<vmem>>) target_semaphore(%dma_start3A_327 : memref<!tpu.dma_semaphore, #tpu.memory_space<semaphore_mem>>)
    }
    %scan3A_126 = arith.constant 41 : i32
    %mul3A_127 = arith.constant 25600 : i32
    %mul3A_128 = arith.muli %mul3A_2, %mul3A_127 : i32
    %dma_wait3A_129 = arith.constant 0 : i32
    %dma_wait3A_130 = tpu.memref_slice %arg2[%mul3A_128] : memref<104857600xf32, #tpu.memory_space<hbm>> -> memref<25600xf32, #tpu.memory_space<hbm>>
    %dma_wait3A_131 = tpu.memref_slice %arg9[%dma_wait3A_129] : memref<3x!tpu.dma_semaphore, #tpu.memory_space<semaphore_mem>> -> memref<1x!tpu.dma_semaphore, #tpu.memory_space<semaphore_mem>>
    %dma_wait3A_132 = tpu.memref_squeeze %dma_wait3A_131 : memref<1x!tpu.dma_semaphore, #tpu.memory_space<semaphore_mem>> -> memref<!tpu.dma_semaphore, #tpu.memory_space<semaphore_mem>>
    %dma_wait3A_133 = tpu.memref_slice %arg2[%mul3A_128] : memref<104857600xf32, #tpu.memory_space<hbm>> -> memref<25600xf32, #tpu.memory_space<hbm>>
    tpu.wait_dma2 semaphore(%dma_wait3A_132 : memref<!tpu.dma_semaphore, #tpu.memory_space<semaphore_mem>>) src(%dma_wait3A_133 : memref<25600xf32, #tpu.memory_space<hbm>>) dst(%arg6 : memref<25600xf32, #tpu.memory_space<vmem>>)
    %scan3A_134 = arith.constant 0 : i32
    %scan3A_135 = arith.constant 1600 : i32
    %scan3A_136 = arith.addi %scan3A_134, %scan3A_135 : i32
    %scan3A_137 = arith.constant 8 : i32
    scf.for %scan3A_190 = %scan3A_134 to %scan3A_136 step %scan3A_137  : i32 {
      %mul3A_191 = arith.constant 1 : i32
      %mul3A_192 = arith.muli %scan3A_190, %mul3A_191 : i32
      %add3A_193 = arith.constant 0 : i32
      %add3A_194 = arith.addi %add3A_193, %mul3A_192 : i32
      %mul3A_195 = arith.constant 16 : i32
      %mul3A_196 = arith.muli %add3A_194, %mul3A_195 : i32
      %get3A = arith.index_cast %mul3A_196 : i32 to index
      %get3A_197 = tpu.vector_load %arg5[%get3A] {strides = array<i32>} : memref<25600xf32, #tpu.memory_space<vmem>>, vector<16xf32>,
      %get3A_198 = vector.shape_cast %get3A_197 : vector<16xf32> to vector<16xf32>
      %swap3A = arith.index_cast %mul3A_196 : i32 to index
      %swap3A_199 = tpu.vector_load %arg6[%swap3A] {strides = array<i32>} : memref<25600xf32, #tpu.memory_space<vmem>>, vector<16xf32>,
      %swap3A_200 = vector.shape_cast %swap3A_199 : vector<16xf32> to vector<16xf32>
      %swap3A_201 = vector.shape_cast %get3A_198 : vector<16xf32> to vector<16xf32>
      tpu.vector_store %arg6[%swap3A], %swap3A_201 {add = true, strides = array<i32>} : memref<25600xf32, #tpu.memory_space<vmem>>, vector<16xf32>,
      %scan3A_202 = arith.constant 1 : i32
      %scan3A_203 = arith.addi %scan3A_190, %scan3A_202 : i32
      %mul3A_204 = arith.constant 1 : i32
      %mul3A_205 = arith.muli %scan3A_203, %mul3A_204 : i32
      %add3A_206 = arith.constant 0 : i32
      %add3A_207 = arith.addi %add3A_206, %mul3A_205 : i32
      %mul3A_208 = arith.constant 16 : i32
      %mul3A_209 = arith.muli %add3A_207, %mul3A_208 : i32
      %get3A_210 = arith.index_cast %mul3A_209 : i32 to index
      %get3A_211 = tpu.vector_load %arg5[%get3A_210] {strides = array<i32>} : memref<25600xf32, #tpu.memory_space<vmem>>, vector<16xf32>,
      %get3A_212 = vector.shape_cast %get3A_211 : vector<16xf32> to vector<16xf32>
      %swap3A_213 = arith.index_cast %mul3A_209 : i32 to index
      %swap3A_214 = tpu.vector_load %arg6[%swap3A_213] {strides = array<i32>} : memref<25600xf32, #tpu.memory_space<vmem>>, vector<16xf32>,
      %swap3A_215 = vector.shape_cast %swap3A_214 : vector<16xf32> to vector<16xf32>
      %swap3A_216 = vector.shape_cast %get3A_212 : vector<16xf32> to vector<16xf32>
      tpu.vector_store %arg6[%swap3A_213], %swap3A_216 {add = true, strides = array<i32>} : memref<25600xf32, #tpu.memory_space<vmem>>, vector<16xf32>,
      %scan3A_217 = arith.constant 2 : i32
      %scan3A_218 = arith.addi %scan3A_190, %scan3A_217 : i32
      %mul3A_219 = arith.constant 1 : i32
      %mul3A_220 = arith.muli %scan3A_218, %mul3A_219 : i32
      %add3A_221 = arith.constant 0 : i32
      %add3A_222 = arith.addi %add3A_221, %mul3A_220 : i32
      %mul3A_223 = arith.constant 16 : i32
      %mul3A_224 = arith.muli %add3A_222, %mul3A_223 : i32
      %get3A_225 = arith.index_cast %mul3A_224 : i32 to index
      %get3A_226 = tpu.vector_load %arg5[%get3A_225] {strides = array<i32>} : memref<25600xf32, #tpu.memory_space<vmem>>, vector<16xf32>,
      %get3A_227 = vector.shape_cast %get3A_226 : vector<16xf32> to vector<16xf32>
      %swap3A_228 = arith.index_cast %mul3A_224 : i32 to index
      %swap3A_229 = tpu.vector_load %arg6[%swap3A_228] {strides = array<i32>} : memref<25600xf32, #tpu.memory_space<vmem>>, vector<16xf32>,
      %swap3A_230 = vector.shape_cast %swap3A_229 : vector<16xf32> to vector<16xf32>
      %swap3A_231 = vector.shape_cast %get3A_227 : vector<16xf32> to vector<16xf32>
      tpu.vector_store %arg6[%swap3A_228], %swap3A_231 {add = true, strides = array<i32>} : memref<25600xf32, #tpu.memory_space<vmem>>, vector<16xf32>,
      %scan3A_232 = arith.constant 3 : i32
      %scan3A_233 = arith.addi %scan3A_190, %scan3A_232 : i32
      %mul3A_234 = arith.constant 1 : i32
      %mul3A_235 = arith.muli %scan3A_233, %mul3A_234 : i32
      %add3A_236 = arith.constant 0 : i32
      %add3A_237 = arith.addi %add3A_236, %mul3A_235 : i32
      %mul3A_238 = arith.constant 16 : i32
      %mul3A_239 = arith.muli %add3A_237, %mul3A_238 : i32
      %get3A_240 = arith.index_cast %mul3A_239 : i32 to index
      %get3A_241 = tpu.vector_load %arg5[%get3A_240] {strides = array<i32>} : memref<25600xf32, #tpu.memory_space<vmem>>, vector<16xf32>,
      %get3A_242 = vector.shape_cast %get3A_241 : vector<16xf32> to vector<16xf32>
      %swap3A_243 = arith.index_cast %mul3A_239 : i32 to index
      %swap3A_244 = tpu.vector_load %arg6[%swap3A_243] {strides = array<i32>} : memref<25600xf32, #tpu.memory_space<vmem>>, vector<16xf32>,
      %swap3A_245 = vector.shape_cast %swap3A_244 : vector<16xf32> to vector<16xf32>
      %swap3A_246 = vector.shape_cast %get3A_242 : vector<16xf32> to vector<16xf32>
      tpu.vector_store %arg6[%swap3A_243], %swap3A_246 {add = true, strides = array<i32>} : memref<25600xf32, #tpu.memory_space<vmem>>, vector<16xf32>,
      %scan3A_247 = arith.constant 4 : i32
      %scan3A_248 = arith.addi %scan3A_190, %scan3A_247 : i32
      %mul3A_249 = arith.constant 1 : i32
      %mul3A_250 = arith.muli %scan3A_248, %mul3A_249 : i32
      %add3A_251 = arith.constant 0 : i32
      %add3A_252 = arith.addi %add3A_251, %mul3A_250 : i32
      %mul3A_253 = arith.constant 16 : i32
      %mul3A_254 = arith.muli %add3A_252, %mul3A_253 : i32
      %get3A_255 = arith.index_cast %mul3A_254 : i32 to index
      %get3A_256 = tpu.vector_load %arg5[%get3A_255] {strides = array<i32>} : memref<25600xf32, #tpu.memory_space<vmem>>, vector<16xf32>,
      %get3A_257 = vector.shape_cast %get3A_256 : vector<16xf32> to vector<16xf32>
      %swap3A_258 = arith.index_cast %mul3A_254 : i32 to index
      %swap3A_259 = tpu.vector_load %arg6[%swap3A_258] {strides = array<i32>} : memref<25600xf32, #tpu.memory_space<vmem>>, vector<16xf32>,
      %swap3A_260 = vector.shape_cast %swap3A_259 : vector<16xf32> to vector<16xf32>
      %swap3A_261 = vector.shape_cast %get3A_257 : vector<16xf32> to vector<16xf32>
      tpu.vector_store %arg6[%swap3A_258], %swap3A_261 {add = true, strides = array<i32>} : memref<25600xf32, #tpu.memory_space<vmem>>, vector<16xf32>,
      %scan3A_262 = arith.constant 5 : i32
      %scan3A_263 = arith.addi %scan3A_190, %scan3A_262 : i32
      %mul3A_264 = arith.constant 1 : i32
      %mul3A_265 = arith.muli %scan3A_263, %mul3A_264 : i32
      %add3A_266 = arith.constant 0 : i32
      %add3A_267 = arith.addi %add3A_266, %mul3A_265 : i32
      %mul3A_268 = arith.constant 16 : i32
      %mul3A_269 = arith.muli %add3A_267, %mul3A_268 : i32
      %get3A_270 = arith.index_cast %mul3A_269 : i32 to index
      %get3A_271 = tpu.vector_load %arg5[%get3A_270] {strides = array<i32>} : memref<25600xf32, #tpu.memory_space<vmem>>, vector<16xf32>,
      %get3A_272 = vector.shape_cast %get3A_271 : vector<16xf32> to vector<16xf32>
      %swap3A_273 = arith.index_cast %mul3A_269 : i32 to index
      %swap3A_274 = tpu.vector_load %arg6[%swap3A_273] {strides = array<i32>} : memref<25600xf32, #tpu.memory_space<vmem>>, vector<16xf32>,
      %swap3A_275 = vector.shape_cast %swap3A_274 : vector<16xf32> to vector<16xf32>
      %swap3A_276 = vector.shape_cast %get3A_272 : vector<16xf32> to vector<16xf32>
      tpu.vector_store %arg6[%swap3A_273], %swap3A_276 {add = true, strides = array<i32>} : memref<25600xf32, #tpu.memory_space<vmem>>, vector<16xf32>,
      %scan3A_277 = arith.constant 6 : i32
      %scan3A_278 = arith.addi %scan3A_190, %scan3A_277 : i32
      %mul3A_279 = arith.constant 1 : i32
      %mul3A_280 = arith.muli %scan3A_278, %mul3A_279 : i32
      %add3A_281 = arith.constant 0 : i32
      %add3A_282 = arith.addi %add3A_281, %mul3A_280 : i32
      %mul3A_283 = arith.constant 16 : i32
      %mul3A_284 = arith.muli %add3A_282, %mul3A_283 : i32
      %get3A_285 = arith.index_cast %mul3A_284 : i32 to index
      %get3A_286 = tpu.vector_load %arg5[%get3A_285] {strides = array<i32>} : memref<25600xf32, #tpu.memory_space<vmem>>, vector<16xf32>,
      %get3A_287 = vector.shape_cast %get3A_286 : vector<16xf32> to vector<16xf32>
      %swap3A_288 = arith.index_cast %mul3A_284 : i32 to index
      %swap3A_289 = tpu.vector_load %arg6[%swap3A_288] {strides = array<i32>} : memref<25600xf32, #tpu.memory_space<vmem>>, vector<16xf32>,
      %swap3A_290 = vector.shape_cast %swap3A_289 : vector<16xf32> to vector<16xf32>
      %swap3A_291 = vector.shape_cast %get3A_287 : vector<16xf32> to vector<16xf32>
      tpu.vector_store %arg6[%swap3A_288], %swap3A_291 {add = true, strides = array<i32>} : memref<25600xf32, #tpu.memory_space<vmem>>, vector<16xf32>,
      %scan3A_292 = arith.constant 7 : i32
      %scan3A_293 = arith.addi %scan3A_190, %scan3A_292 : i32
      %mul3A_294 = arith.constant 1 : i32
      %mul3A_295 = arith.muli %scan3A_293, %mul3A_294 : i32
      %add3A_296 = arith.constant 0 : i32
      %add3A_297 = arith.addi %add3A_296, %mul3A_295 : i32
      %mul3A_298 = arith.constant 16 : i32
      %mul3A_299 = arith.muli %add3A_297, %mul3A_298 : i32
      %get3A_300 = arith.index_cast %mul3A_299 : i32 to index
      %get3A_301 = tpu.vector_load %arg5[%get3A_300] {strides = array<i32>} : memref<25600xf32, #tpu.memory_space<vmem>>, vector<16xf32>,
      %get3A_302 = vector.shape_cast %get3A_301 : vector<16xf32> to vector<16xf32>
      %swap3A_303 = arith.index_cast %mul3A_299 : i32 to index
      %swap3A_304 = tpu.vector_load %arg6[%swap3A_303] {strides = array<i32>} : memref<25600xf32, #tpu.memory_space<vmem>>, vector<16xf32>,
      %swap3A_305 = vector.shape_cast %swap3A_304 : vector<16xf32> to vector<16xf32>
      %swap3A_306 = vector.shape_cast %get3A_302 : vector<16xf32> to vector<16xf32>
      tpu.vector_store %arg6[%swap3A_303], %swap3A_306 {add = true, strides = array<i32>} : memref<25600xf32, #tpu.memory_space<vmem>>, vector<16xf32>,
    }
    %scan3A_138 = arith.constant 1600 : i32
    %add3A_139 = arith.constant 126 : i32
    %add3A_140 = arith.addi %mul3A_2, %add3A_139 : i32
    %mul3A_141 = arith.constant 25600 : i32
    %mul3A_142 = arith.muli %add3A_140, %mul3A_141 : i32
    %dma_start3A_143 = arith.constant 0 : i32
    %dma_start3A_144 = tpu.memref_slice %arg4[%mul3A_142] : memref<104857600xf32, #tpu.memory_space<hbm>> -> memref<25600xf32, #tpu.memory_space<hbm>>
    %dma_start3A_145 = tpu.memref_slice %arg10[%dma_start3A_143] : memref<3x!tpu.dma_semaphore, #tpu.memory_space<semaphore_mem>> -> memref<1x!tpu.dma_semaphore, #tpu.memory_space<semaphore_mem>>
    %dma_start3A_146 = tpu.memref_squeeze %dma_start3A_145 : memref<1x!tpu.dma_semaphore, #tpu.memory_space<semaphore_mem>> -> memref<!tpu.dma_semaphore, #tpu.memory_space<semaphore_mem>>
    %dma_start3A_147 = tpu.memref_slice %arg4[%mul3A_142] : memref<104857600xf32, #tpu.memory_space<hbm>> -> memref<25600xf32, #tpu.memory_space<hbm>>
    tpu.enqueue_dma source(%arg6 : memref<25600xf32, #tpu.memory_space<vmem>>) target(%dma_start3A_147 : memref<25600xf32, #tpu.memory_space<hbm>>) target_semaphore(%dma_start3A_146 : memref<!tpu.dma_semaphore, #tpu.memory_space<semaphore_mem>>)
    %mul3A_148 = arith.constant 25600 : i32
    %mul3A_149 = arith.muli %mul3A_2, %mul3A_148 : i32
    %dma_wait3A_150 = arith.constant 2 : i32
    %dma_wait3A_151 = tpu.memref_slice %arg4[%mul3A_149] : memref<104857600xf32, #tpu.memory_space<hbm>> -> memref<25600xf32, #tpu.memory_space<hbm>>
    %dma_wait3A_152 = tpu.memref_slice %arg10[%dma_wait3A_150] : memref<3x!tpu.dma_semaphore, #tpu.memory_space<semaphore_mem>> -> memref<1x!tpu.dma_semaphore, #tpu.memory_space<semaphore_mem>>
    %dma_wait3A_153 = tpu.memref_squeeze %dma_wait3A_152 : memref<1x!tpu.dma_semaphore, #tpu.memory_space<semaphore_mem>> -> memref<!tpu.dma_semaphore, #tpu.memory_space<semaphore_mem>>
    %dma_wait3A_154 = tpu.memref_slice %arg4[%mul3A_149] : memref<104857600xf32, #tpu.memory_space<hbm>> -> memref<25600xf32, #tpu.memory_space<hbm>>
    tpu.wait_dma2 semaphore(%dma_wait3A_153 : memref<!tpu.dma_semaphore, #tpu.memory_space<semaphore_mem>>) src(%arg8 : memref<25600xf32, #tpu.memory_space<vmem>>) dst(%dma_wait3A_154 : memref<25600xf32, #tpu.memory_space<hbm>>)
    %mul3A_155 = arith.constant 25600 : i32
    %mul3A_156 = arith.muli %mul3A_2, %mul3A_155 : i32
    %dma_wait3A_157 = arith.constant 1 : i32
    %dma_wait3A_158 = tpu.memref_slice %arg2[%mul3A_156] : memref<104857600xf32, #tpu.memory_space<hbm>> -> memref<25600xf32, #tpu.memory_space<hbm>>
    %dma_wait3A_159 = tpu.memref_slice %arg9[%dma_wait3A_157] : memref<3x!tpu.dma_semaphore, #tpu.memory_space<semaphore_mem>> -> memref<1x!tpu.dma_semaphore, #tpu.memory_space<semaphore_mem>>
    %dma_wait3A_160 = tpu.memref_squeeze %dma_wait3A_159 : memref<1x!tpu.dma_semaphore, #tpu.memory_space<semaphore_mem>> -> memref<!tpu.dma_semaphore, #tpu.memory_space<semaphore_mem>>
    %dma_wait3A_161 = tpu.memref_slice %arg2[%mul3A_156] : memref<104857600xf32, #tpu.memory_space<hbm>> -> memref<25600xf32, #tpu.memory_space<hbm>>
    tpu.wait_dma2 semaphore(%dma_wait3A_160 : memref<!tpu.dma_semaphore, #tpu.memory_space<semaphore_mem>>) src(%dma_wait3A_161 : memref<25600xf32, #tpu.memory_space<hbm>>) dst(%arg7 : memref<25600xf32, #tpu.memory_space<vmem>>)
    %scan3A_162 = arith.constant 0 : i32
    %scan3A_163 = arith.constant 1600 : i32
    %scan3A_164 = arith.addi %scan3A_162, %scan3A_163 : i32
    %scan3A_165 = arith.constant 8 : i32
    scf.for %scan3A_190 = %scan3A_162 to %scan3A_164 step %scan3A_165  : i32 {
      %mul3A_191 = arith.constant 1 : i32
      %mul3A_192 = arith.muli %scan3A_190, %mul3A_191 : i32
      %add3A_193 = arith.constant 0 : i32
      %add3A_194 = arith.addi %add3A_193, %mul3A_192 : i32
      %mul3A_195 = arith.constant 16 : i32
      %mul3A_196 = arith.muli %add3A_194, %mul3A_195 : i32
      %get3A = arith.index_cast %mul3A_196 : i32 to index
      %get3A_197 = tpu.vector_load %arg5[%get3A] {strides = array<i32>} : memref<25600xf32, #tpu.memory_space<vmem>>, vector<16xf32>,
      %get3A_198 = vector.shape_cast %get3A_197 : vector<16xf32> to vector<16xf32>
      %swap3A = arith.index_cast %mul3A_196 : i32 to index
      %swap3A_199 = tpu.vector_load %arg7[%swap3A] {strides = array<i32>} : memref<25600xf32, #tpu.memory_space<vmem>>, vector<16xf32>,
      %swap3A_200 = vector.shape_cast %swap3A_199 : vector<16xf32> to vector<16xf32>
      %swap3A_201 = vector.shape_cast %get3A_198 : vector<16xf32> to vector<16xf32>
      tpu.vector_store %arg7[%swap3A], %swap3A_201 {add = true, strides = array<i32>} : memref<25600xf32, #tpu.memory_space<vmem>>, vector<16xf32>,
      %scan3A_202 = arith.constant 1 : i32
      %scan3A_203 = arith.addi %scan3A_190, %scan3A_202 : i32
      %mul3A_204 = arith.constant 1 : i32
      %mul3A_205 = arith.muli %scan3A_203, %mul3A_204 : i32
      %add3A_206 = arith.constant 0 : i32
      %add3A_207 = arith.addi %add3A_206, %mul3A_205 : i32
      %mul3A_208 = arith.constant 16 : i32
      %mul3A_209 = arith.muli %add3A_207, %mul3A_208 : i32
      %get3A_210 = arith.index_cast %mul3A_209 : i32 to index
      %get3A_211 = tpu.vector_load %arg5[%get3A_210] {strides = array<i32>} : memref<25600xf32, #tpu.memory_space<vmem>>, vector<16xf32>,
      %get3A_212 = vector.shape_cast %get3A_211 : vector<16xf32> to vector<16xf32>
      %swap3A_213 = arith.index_cast %mul3A_209 : i32 to index
      %swap3A_214 = tpu.vector_load %arg7[%swap3A_213] {strides = array<i32>} : memref<25600xf32, #tpu.memory_space<vmem>>, vector<16xf32>,
      %swap3A_215 = vector.shape_cast %swap3A_214 : vector<16xf32> to vector<16xf32>
      %swap3A_216 = vector.shape_cast %get3A_212 : vector<16xf32> to vector<16xf32>
      tpu.vector_store %arg7[%swap3A_213], %swap3A_216 {add = true, strides = array<i32>} : memref<25600xf32, #tpu.memory_space<vmem>>, vector<16xf32>,
      %scan3A_217 = arith.constant 2 : i32
      %scan3A_218 = arith.addi %scan3A_190, %scan3A_217 : i32
      %mul3A_219 = arith.constant 1 : i32
      %mul3A_220 = arith.muli %scan3A_218, %mul3A_219 : i32
      %add3A_221 = arith.constant 0 : i32
      %add3A_222 = arith.addi %add3A_221, %mul3A_220 : i32
      %mul3A_223 = arith.constant 16 : i32
      %mul3A_224 = arith.muli %add3A_222, %mul3A_223 : i32
      %get3A_225 = arith.index_cast %mul3A_224 : i32 to index
      %get3A_226 = tpu.vector_load %arg5[%get3A_225] {strides = array<i32>} : memref<25600xf32, #tpu.memory_space<vmem>>, vector<16xf32>,
      %get3A_227 = vector.shape_cast %get3A_226 : vector<16xf32> to vector<16xf32>
      %swap3A_228 = arith.index_cast %mul3A_224 : i32 to index
      %swap3A_229 = tpu.vector_load %arg7[%swap3A_228] {strides = array<i32>} : memref<25600xf32, #tpu.memory_space<vmem>>, vector<16xf32>,
      %swap3A_230 = vector.shape_cast %swap3A_229 : vector<16xf32> to vector<16xf32>
      %swap3A_231 = vector.shape_cast %get3A_227 : vector<16xf32> to vector<16xf32>
      tpu.vector_store %arg7[%swap3A_228], %swap3A_231 {add = true, strides = array<i32>} : memref<25600xf32, #tpu.memory_space<vmem>>, vector<16xf32>,
      %scan3A_232 = arith.constant 3 : i32
      %scan3A_233 = arith.addi %scan3A_190, %scan3A_232 : i32
      %mul3A_234 = arith.constant 1 : i32
      %mul3A_235 = arith.muli %scan3A_233, %mul3A_234 : i32
      %add3A_236 = arith.constant 0 : i32
      %add3A_237 = arith.addi %add3A_236, %mul3A_235 : i32
      %mul3A_238 = arith.constant 16 : i32
      %mul3A_239 = arith.muli %add3A_237, %mul3A_238 : i32
      %get3A_240 = arith.index_cast %mul3A_239 : i32 to index
      %get3A_241 = tpu.vector_load %arg5[%get3A_240] {strides = array<i32>} : memref<25600xf32, #tpu.memory_space<vmem>>, vector<16xf32>,
      %get3A_242 = vector.shape_cast %get3A_241 : vector<16xf32> to vector<16xf32>
      %swap3A_243 = arith.index_cast %mul3A_239 : i32 to index
      %swap3A_244 = tpu.vector_load %arg7[%swap3A_243] {strides = array<i32>} : memref<25600xf32, #tpu.memory_space<vmem>>, vector<16xf32>,
      %swap3A_245 = vector.shape_cast %swap3A_244 : vector<16xf32> to vector<16xf32>
      %swap3A_246 = vector.shape_cast %get3A_242 : vector<16xf32> to vector<16xf32>
      tpu.vector_store %arg7[%swap3A_243], %swap3A_246 {add = true, strides = array<i32>} : memref<25600xf32, #tpu.memory_space<vmem>>, vector<16xf32>,
      %scan3A_247 = arith.constant 4 : i32
      %scan3A_248 = arith.addi %scan3A_190, %scan3A_247 : i32
      %mul3A_249 = arith.constant 1 : i32
      %mul3A_250 = arith.muli %scan3A_248, %mul3A_249 : i32
      %add3A_251 = arith.constant 0 : i32
      %add3A_252 = arith.addi %add3A_251, %mul3A_250 : i32
      %mul3A_253 = arith.constant 16 : i32
      %mul3A_254 = arith.muli %add3A_252, %mul3A_253 : i32
      %get3A_255 = arith.index_cast %mul3A_254 : i32 to index
      %get3A_256 = tpu.vector_load %arg5[%get3A_255] {strides = array<i32>} : memref<25600xf32, #tpu.memory_space<vmem>>, vector<16xf32>,
      %get3A_257 = vector.shape_cast %get3A_256 : vector<16xf32> to vector<16xf32>
      %swap3A_258 = arith.index_cast %mul3A_254 : i32 to index
      %swap3A_259 = tpu.vector_load %arg7[%swap3A_258] {strides = array<i32>} : memref<25600xf32, #tpu.memory_space<vmem>>, vector<16xf32>,
      %swap3A_260 = vector.shape_cast %swap3A_259 : vector<16xf32> to vector<16xf32>
      %swap3A_261 = vector.shape_cast %get3A_257 : vector<16xf32> to vector<16xf32>
      tpu.vector_store %arg7[%swap3A_258], %swap3A_261 {add = true, strides = array<i32>} : memref<25600xf32, #tpu.memory_space<vmem>>, vector<16xf32>,
      %scan3A_262 = arith.constant 5 : i32
      %scan3A_263 = arith.addi %scan3A_190, %scan3A_262 : i32
      %mul3A_264 = arith.constant 1 : i32
      %mul3A_265 = arith.muli %scan3A_263, %mul3A_264 : i32
      %add3A_266 = arith.constant 0 : i32
      %add3A_267 = arith.addi %add3A_266, %mul3A_265 : i32
      %mul3A_268 = arith.constant 16 : i32
      %mul3A_269 = arith.muli %add3A_267, %mul3A_268 : i32
      %get3A_270 = arith.index_cast %mul3A_269 : i32 to index
      %get3A_271 = tpu.vector_load %arg5[%get3A_270] {strides = array<i32>} : memref<25600xf32, #tpu.memory_space<vmem>>, vector<16xf32>,
      %get3A_272 = vector.shape_cast %get3A_271 : vector<16xf32> to vector<16xf32>
      %swap3A_273 = arith.index_cast %mul3A_269 : i32 to index
      %swap3A_274 = tpu.vector_load %arg7[%swap3A_273] {strides = array<i32>} : memref<25600xf32, #tpu.memory_space<vmem>>, vector<16xf32>,
      %swap3A_275 = vector.shape_cast %swap3A_274 : vector<16xf32> to vector<16xf32>
      %swap3A_276 = vector.shape_cast %get3A_272 : vector<16xf32> to vector<16xf32>
      tpu.vector_store %arg7[%swap3A_273], %swap3A_276 {add = true, strides = array<i32>} : memref<25600xf32, #tpu.memory_space<vmem>>, vector<16xf32>,
      %scan3A_277 = arith.constant 6 : i32
      %scan3A_278 = arith.addi %scan3A_190, %scan3A_277 : i32
      %mul3A_279 = arith.constant 1 : i32
      %mul3A_280 = arith.muli %scan3A_278, %mul3A_279 : i32
      %add3A_281 = arith.constant 0 : i32
      %add3A_282 = arith.addi %add3A_281, %mul3A_280 : i32
      %mul3A_283 = arith.constant 16 : i32
      %mul3A_284 = arith.muli %add3A_282, %mul3A_283 : i32
      %get3A_285 = arith.index_cast %mul3A_284 : i32 to index
      %get3A_286 = tpu.vector_load %arg5[%get3A_285] {strides = array<i32>} : memref<25600xf32, #tpu.memory_space<vmem>>, vector<16xf32>,
      %get3A_287 = vector.shape_cast %get3A_286 : vector<16xf32> to vector<16xf32>
      %swap3A_288 = arith.index_cast %mul3A_284 : i32 to index
      %swap3A_289 = tpu.vector_load %arg7[%swap3A_288] {strides = array<i32>} : memref<25600xf32, #tpu.memory_space<vmem>>, vector<16xf32>,
      %swap3A_290 = vector.shape_cast %swap3A_289 : vector<16xf32> to vector<16xf32>
      %swap3A_291 = vector.shape_cast %get3A_287 : vector<16xf32> to vector<16xf32>
      tpu.vector_store %arg7[%swap3A_288], %swap3A_291 {add = true, strides = array<i32>} : memref<25600xf32, #tpu.memory_space<vmem>>, vector<16xf32>,
      %scan3A_292 = arith.constant 7 : i32
      %scan3A_293 = arith.addi %scan3A_190, %scan3A_292 : i32
      %mul3A_294 = arith.constant 1 : i32
      %mul3A_295 = arith.muli %scan3A_293, %mul3A_294 : i32
      %add3A_296 = arith.constant 0 : i32
      %add3A_297 = arith.addi %add3A_296, %mul3A_295 : i32
      %mul3A_298 = arith.constant 16 : i32
      %mul3A_299 = arith.muli %add3A_297, %mul3A_298 : i32
      %get3A_300 = arith.index_cast %mul3A_299 : i32 to index
      %get3A_301 = tpu.vector_load %arg5[%get3A_300] {strides = array<i32>} : memref<25600xf32, #tpu.memory_space<vmem>>, vector<16xf32>,
      %get3A_302 = vector.shape_cast %get3A_301 : vector<16xf32> to vector<16xf32>
      %swap3A_303 = arith.index_cast %mul3A_299 : i32 to index
      %swap3A_304 = tpu.vector_load %arg7[%swap3A_303] {strides = array<i32>} : memref<25600xf32, #tpu.memory_space<vmem>>, vector<16xf32>,
      %swap3A_305 = vector.shape_cast %swap3A_304 : vector<16xf32> to vector<16xf32>
      %swap3A_306 = vector.shape_cast %get3A_302 : vector<16xf32> to vector<16xf32>
      tpu.vector_store %arg7[%swap3A_303], %swap3A_306 {add = true, strides = array<i32>} : memref<25600xf32, #tpu.memory_space<vmem>>, vector<16xf32>,
    }
    %scan3A_166 = arith.constant 1600 : i32
    %add3A_167 = arith.constant 127 : i32
    %add3A_168 = arith.addi %mul3A_2, %add3A_167 : i32
    %mul3A_169 = arith.constant 25600 : i32
    %mul3A_170 = arith.muli %add3A_168, %mul3A_169 : i32
    %dma_start3A_171 = arith.constant 1 : i32
    %dma_start3A_172 = tpu.memref_slice %arg4[%mul3A_170] : memref<104857600xf32, #tpu.memory_space<hbm>> -> memref<25600xf32, #tpu.memory_space<hbm>>
    %dma_start3A_173 = tpu.memref_slice %arg10[%dma_start3A_171] : memref<3x!tpu.dma_semaphore, #tpu.memory_space<semaphore_mem>> -> memref<1x!tpu.dma_semaphore, #tpu.memory_space<semaphore_mem>>
    %dma_start3A_174 = tpu.memref_squeeze %dma_start3A_173 : memref<1x!tpu.dma_semaphore, #tpu.memory_space<semaphore_mem>> -> memref<!tpu.dma_semaphore, #tpu.memory_space<semaphore_mem>>
    %dma_start3A_175 = tpu.memref_slice %arg4[%mul3A_170] : memref<104857600xf32, #tpu.memory_space<hbm>> -> memref<25600xf32, #tpu.memory_space<hbm>>
    tpu.enqueue_dma source(%arg7 : memref<25600xf32, #tpu.memory_space<vmem>>) target(%dma_start3A_175 : memref<25600xf32, #tpu.memory_space<hbm>>) target_semaphore(%dma_start3A_174 : memref<!tpu.dma_semaphore, #tpu.memory_space<semaphore_mem>>)
    %mul3A_176 = arith.constant 25600 : i32
    %mul3A_177 = arith.muli %mul3A_2, %mul3A_176 : i32
    %dma_wait3A_178 = arith.constant 0 : i32
    %dma_wait3A_179 = tpu.memref_slice %arg4[%mul3A_177] : memref<104857600xf32, #tpu.memory_space<hbm>> -> memref<25600xf32, #tpu.memory_space<hbm>>
    %dma_wait3A_180 = tpu.memref_slice %arg10[%dma_wait3A_178] : memref<3x!tpu.dma_semaphore, #tpu.memory_space<semaphore_mem>> -> memref<1x!tpu.dma_semaphore, #tpu.memory_space<semaphore_mem>>
    %dma_wait3A_181 = tpu.memref_squeeze %dma_wait3A_180 : memref<1x!tpu.dma_semaphore, #tpu.memory_space<semaphore_mem>> -> memref<!tpu.dma_semaphore, #tpu.memory_space<semaphore_mem>>
    %dma_wait3A_182 = tpu.memref_slice %arg4[%mul3A_177] : memref<104857600xf32, #tpu.memory_space<hbm>> -> memref<25600xf32, #tpu.memory_space<hbm>>
    tpu.wait_dma2 semaphore(%dma_wait3A_181 : memref<!tpu.dma_semaphore, #tpu.memory_space<semaphore_mem>>) src(%arg6 : memref<25600xf32, #tpu.memory_space<vmem>>) dst(%dma_wait3A_182 : memref<25600xf32, #tpu.memory_space<hbm>>)
    %mul3A_183 = arith.constant 25600 : i32
    %mul3A_184 = arith.muli %mul3A_2, %mul3A_183 : i32
    %dma_wait3A_185 = arith.constant 1 : i32
    %dma_wait3A_186 = tpu.memref_slice %arg4[%mul3A_184] : memref<104857600xf32, #tpu.memory_space<hbm>> -> memref<25600xf32, #tpu.memory_space<hbm>>
    %dma_wait3A_187 = tpu.memref_slice %arg10[%dma_wait3A_185] : memref<3x!tpu.dma_semaphore, #tpu.memory_space<semaphore_mem>> -> memref<1x!tpu.dma_semaphore, #tpu.memory_space<semaphore_mem>>
    %dma_wait3A_188 = tpu.memref_squeeze %dma_wait3A_187 : memref<1x!tpu.dma_semaphore, #tpu.memory_space<semaphore_mem>> -> memref<!tpu.dma_semaphore, #tpu.memory_space<semaphore_mem>>
    %dma_wait3A_189 = tpu.memref_slice %arg4[%mul3A_184] : memref<104857600xf32, #tpu.memory_space<hbm>> -> memref<25600xf32, #tpu.memory_space<hbm>>
    tpu.wait_dma2 semaphore(%dma_wait3A_188 : memref<!tpu.dma_semaphore, #tpu.memory_space<semaphore_mem>>) src(%arg7 : memref<25600xf32, #tpu.memory_space<vmem>>) dst(%dma_wait3A_189 : memref<25600xf32, #tpu.memory_space<hbm>>)
    return
  }
}

</mosaic_0001>

<sc_bundles>
// kernel: _sc_add.3.cloned.1.call-start
scs
__scs_entry_jumppad:
0x0: {  	(pc) =	sbr.rel $0x88, $3  }
0x1: {  	(tag) =	ssettag $0x0;
	lr =	simm.s32 $0x1  }
0x2: {  	[smem:$0x3F9F] =	sst lr;
	_ =	strace $0xD0000000  }
0x3: {  	_ = 	snop  }
0x4: {  	_ = 	snop  }
0x5: {  	_ = 	snop  }
0x6: {  	_ = 	snop  }
0x7: {  	_ = 	snop  }
__scs_overlays_trampoline_lowered:
0x8: {  	[smem:$0x3FAE] =	sst s0  }
0x9: {  	[smem:$0x3FAF] =	sst s1  }
0xa: {  	[smem:$0x3FB0] =	sst s2  }
0xb: {  	[smem:$0x3FB1] =	sst s3  }
0xc: {  	[smem:$0x3FB2] =	sst s4  }
0xd: {  	[smem:$0x3FB3] =	sst s5  }
0xe: {  	[smem:$0x3FB4] =	sst s6  }
0xf: {  	[smem:$0x3FB5] =	sst s7  }
0x10: {  	[smem:$0x3FB6] =	sst s8  }
0x11: {  	[smem:$0x3FB7] =	sst s9;
	s0 =	simm.s32 @!p0 $0x0  }
0x12: {  	s1 =	sld [smem:$0x3F9D];
	s0 =	simm.s32 @p0 $0x1  }
0x13: {  	[smem:$0x3FB8] =	sst s0;
	s0 =	simm.s32 @!p1 $0x0  }
0x14: {  	s2 =	sld [smem:$0x3F9C];
	s0 =	simm.s32 @p1 $0x1  }
0x15: {  	[smem:$0x3FB9] =	sst s0;
	s0 =	simm.s32 @!p2 $0x0  }
0x16: {  	s3 =	sld [smem:$0x3FDB];
	s0 =	simm.s32 @p2 $0x1  }
0x17: {  	s4 =	simm.s32 $0x1BF5;
	[smem:$0x3FBB] =	sst s0  }
0x18: {  	s0 =	sld [smem:$0x3F9E];
	_ =	swait.ge [sflag:s4], $0x0  }
0x19: {  	s7 =	sld [smem:$0x3F9F]  }
0x1a: {  	s8 =	sadd.s32 $0xFFFFE003, lr  }
0x1b: {  	s9 =	sadd.s32 $0xFFFFFEF7, lr;
	s5 =	simm.s32 $0xFFFFFFFF;
	p2 =	slt.u32 s8, $0xFFFFF086  }
0x1c: {  	p1 =	slt.u32 s9, $0xF7A;
	s5 =	simm.s32 @!p2 $0x0  }
0x1d: {  	s5 =	simm.s32 @p1 $0x1;
	p0 =	seq.s32 s7, s2  }
0x1e: {  	s7 =	smul.u32 @!p0 $0xF7A, s2;
	p2 =	seq.s32 @!p0 s5, $0x0  }
0x1f: {  	s9 =	smul.u32 $0xF7A, s1;
	s8 =	simm.s32 @!p0 $0x1BF5;
	p2 =	por !p2, p0  }
0x20: {  	[sflag:s8] =	ssyncset.s32 @!p0 $0xFFFFF086;
	s6 =	sadd.s32 @!p0 s3, s7;
	s7 =	simm.s32 @!p0 $0x108  }
0x21: {  	s3 =	sadd.s32 s3, s9;
	s6 =	sadd.s32 @!p0 $0x88, s6;
	s7 =	simm.s32 @p2 $0x1082  }
0x22: {  	[simem:s7], [sflag:s8] =	dma.local @!p0 [hbm:s6], $0xF7A  }
0x23: {  	s9 =	sor.u32 $0xD0000000, s2;
	s6 =	simm.s32 $0x108;
	_ =	swait.ge @!p0 [sflag:s8], $0x0  }
0x24: {  	s3 =	sadd.s32 $0x88, s3;
	s6 =	simm.s32 @!p1 $0x1082;
	[sflag:s4] =	ssyncset.s32 $0xFFFFF086  }
0x25: {  	[simem:s6], [sflag:s4] =	dma.local [hbm:s3], $0xF7A  }
0x26: {  	[smem:$0x3F9F] =	sst s1;
	(tag) =	ssettag s2;
	_ =	strace s9  }
0x27: {  	s1 =	sld [smem:$0x3FAF]  }
0x28: {  	s2 =	sld [smem:$0x3FB0]  }
0x29: {  	s4 =	sld [smem:$0x3FB2]  }
0x2a: {  	p0 =	seq.s32 s5, $0x0;
	s5 =	sld [smem:$0x3FB3]  }
0x2b: {  	s6 =	sld [smem:$0x3FB4]  }
0x2c: {  	s7 =	sld [smem:$0x3FB5]  }
0x2d: {  	s3 =	simm.s32 $0x108;
	s8 =	sld [smem:$0x3FB6]  }
0x2e: {  	s3 =	simm.s32 @!p0 $0x1082;
	s9 =	sld [smem:$0x3FB7]  }
0x2f: {  	lr =	sadd.s32 s0, s3;
	s0 =	sld [smem:$0x3FAE]  }
0x30: {  	s3 =	sld [smem:$0x3FB1]  }
0x31: {  	[smem:$0x3FBA] =	sst s10  }
0x32: {  	s10 =	sld [smem:$0x3FB8];
	_ =	sdelay $0x3  }
0x33: {  	p0 =	seq.s32 s10, $0x1;
	s10 =	sld [smem:$0x3FBA];
	_ =	sdelay $0x3  }
0x34: {  	[smem:$0x3FBA] =	sst s10  }
0x35: {  	s10 =	sld [smem:$0x3FB9];
	_ =	sdelay $0x3  }
0x36: {  	p1 =	seq.s32 s10, $0x1;
	s10 =	sld [smem:$0x3FBA];
	_ =	sdelay $0x3  }
0x37: {  	[smem:$0x3FBA] =	sst s10  }
0x38: {  	s10 =	sld [smem:$0x3FBB]  }
0x39: {  	_ = 	snop;
	(pc) =	sbr.ind lr, $3  }
0x3a: {  	_ = 	snop  }
0x3b: {  	_ = 	snop  }
0x3c: {  	p2 =	seq.s32 s10, $0x1;
	s10 =	sld [smem:$0x3FBA]  }
0x3d: {  	_ =	shalt  }
0x3e: {  	_ =	shalt  }
0x3f: {  	_ =	shalt  }
0x40: {  	_ =	shalt  }
0x41: {  	_ =	shalt  }
0x42: {  	_ =	shalt  }
0x43: {  	_ =	shalt  }
0x44: {  	_ =	shalt  }
0x45: {  	_ =	shalt  }
0x46: {  	_ =	shalt  }
0x47: {  	_ =	shalt  }
0x48: {  	_ =	shalt  }
0x49: {  	_ =	shalt  }
0x4a: {  	_ =	shalt  }
0x4b: {  	_ =	shalt  }
0x4c: {  	_ =	shalt  }
0x4d: {  	_ =	shalt  }
0x4e: {  	_ =	shalt  }
0x4f: {  	_ =	shalt  }
0x50: {  	_ =	shalt  }
0x51: {  	_ =	shalt  }
0x52: {  	_ =	shalt  }
0x53: {  	_ =	shalt  }
0x54: {  	_ =	shalt  }
0x55: {  	_ =	shalt  }
0x56: {  	_ =	shalt  }
0x57: {  	_ =	shalt  }
0x58: {  	_ =	shalt  }
0x59: {  	_ =	shalt  }
0x5a: {  	_ =	shalt  }
0x5b: {  	_ =	shalt  }
0x5c: {  	_ =	shalt  }
0x5d: {  	_ =	shalt  }
0x5e: {  	_ =	shalt  }
0x5f: {  	_ =	shalt  }
0x60: {  	_ =	shalt  }
0x61: {  	_ =	shalt  }
0x62: {  	_ =	shalt  }
0x63: {  	_ =	shalt  }
0x64: {  	_ =	shalt  }
0x65: {  	_ =	shalt  }
0x66: {  	_ =	shalt  }
0x67: {  	_ =	shalt  }
0x68: {  	_ =	shalt  }
0x69: {  	_ =	shalt  }
0x6a: {  	_ =	shalt  }
0x6b: {  	_ =	shalt  }
0x6c: {  	_ =	shalt  }
0x6d: {  	_ =	shalt  }
0x6e: {  	_ =	shalt  }
0x6f: {  	_ =	shalt  }
0x70: {  	_ =	shalt  }
0x71: {  	_ =	shalt  }
0x72: {  	_ =	shalt  }
0x73: {  	_ =	shalt  }
0x74: {  	_ =	shalt  }
0x75: {  	_ =	shalt  }
0x76: {  	_ =	shalt  }
0x77: {  	_ =	shalt  }
0x78: {  	_ =	shalt  }
0x79: {  	_ =	shalt  }
0x7a: {  	_ =	shalt  }
0x7b: {  	_ =	shalt  }
0x7c: {  	_ =	shalt  }
0x7d: {  	_ =	shalt  }
0x7e: {  	_ =	shalt  }
0x7f: {  	_ =	shalt  }
0x80: {  	_ =	shalt  }
0x81: {  	_ =	shalt  }
0x82: {  	_ =	shalt  }
0x83: {  	_ =	shalt  }
0x84: {  	_ =	shalt  }
0x85: {  	_ =	shalt  }
0x86: {  	_ =	shalt  }
0x87: {  	_ =	shalt  }
.Lfunc_end0:
.L_simem_size_0:
called_computation_lowered:
.L_overlay_start_0:
0x88: {  	s2 =	sld [smem:$0x3FD9]  }
0x89: {  	s3 =	sld [smem:$0x3FFE];
	_ =	sdelay $0x1  }
0x8a: {  	s1 =	srdreg.scid  }
0x8b: {  	s0 =	sand.u32 $0x1, s1  }
0x8c: {  	s18 =	sshll.u32 s0, $0xA;
	s2 =	sadd.s32 s3, s2  }
0x8d: {  	s2 =	sadd.s32 s2, s18  }
0x8e: {  	[smem:$0x3FC6] =	sst s2  }
0x8f: {  	_ = 	snop  }
0x90: {  	s2 =	sld [smem:$0x3FC9]  }
0x91: {  	s19 =	sld [smem:$0x3FC8]  }
0x92: {  	s4 =	sld [smem:$0x3FD0];
	(tm) =	ssettm $0x1  }
0x93: {  	s5 =	sld [smem:$0x3FFB];
	_ =	sdelay $0x3  }
0x94: {  	_ =	strace s5  }
0x95: {  	s5 =	sld [smem:$0x3FFC];
	_ =	sdelay $0x3  }
0x96: {  	_ =	strace s5  }
0x97: {  	s5 =	sld [smem:$0x3FFD];
	_ =	sdelay $0x3  }
0x98: {  	_ =	strace s5  }
0x99: {  	_ =	strace $0x8FFFFFFF  }
0x9a: {  	s20 =	sld [smem:$0x3FDB];
	_ =	sdelay $0x1  }
0x9b: {  	s6 =	simm.s32 $_scs_section_size  }
0x9c: {  	s7 =	simm.s32 $_size__tile_overlayer_lowered;
	s8 =	simm.s32 $_tile_overlayer_lowered  }
0x9d: {  	s23 =	simm.s32 $0x1BFF;
	s22 =	sshll.u32 s8, $0x1;
	s5 =	sadd.s32 s6, s20  }
0x9e: {  	s9 =	simm.s32 $0x0;
	s21 =	sshll.u32 s7, $0x1;
	s7 =	sadd.s32 s22, s5  }
0x9f: {  	[timem:s9], [sflag:s23] =	dma.local [hbm:s7], s21  }
0xa0: {  	_ =	swait.ge [sflag:s23], s21  }
0xa1: {  	s6 =	ssub.s32 $0x0, s21;
	[sflag:s23] =	ssyncset.done $0x0  }
0xa2: {  	[sflag:s23] =	ssyncadd.s32 s6;
	_ =	sdelay $0x1  }
0xa3: {  	s24 =	simm.s32 $0x1B8B  }
0xa4: {  	_ =	swait.ge [sflag:s24], $0x1  }
0xa5: {  	[sflag:s24] =	ssyncset.done $0x0  }
0xa6: {  	s25 =	simm.s32 $0x1B8E;
	[sflag:s24] =	ssyncadd.s32 $0xFFFFFFFF  }
0xa7: {  	s26 =	simm.s32 $execute0_lowered;
	[smem:$0x3FD2] =	sst s25  }
0xa8: {  	s6 =	sshll.u32 s26, $0x1;
	_ =	strace $0x80000046;
	[dreg:$0x1] =	wrdreg $0xFFFFFFFF  }
0xa9: {  	s28 =	simm.s32 $_size_execute0_lowered;
	s5 =	sadd.s32 s5, s6;
	[dreg:$0x0] =	wrdreg $0x0  }
0xaa: {  	s6 =	sshll.u32 s28, $0x1;
	[dreg:$0x2] =	wrdreg s5  }
0xab: {  	[dreg:$0x3] =	wrdreg s6  }
0xac: {  	[dreg:$0x4] =	wrdreg $0xC0  }
0xad: {  	_ =	task [dreg:s9], $0x5FFFF  }
0xae: {  	[dreg:$0x1] =	wrdreg $0xFFFFFFFF  }
0xaf: {  	[dreg:$0x0] =	wrdreg $0x60  }
0xb0: {  	[dreg:$0x2] =	wrdreg s2  }
0xb1: {  	[dreg:$0x3] =	wrdreg s19  }
0xb2: {  	[dreg:$0x4] =	wrdreg s4  }
0xb3: {  	[dreg:$0x5] =	wrdreg $0x9  }
0xb4: {  	_ =	task.clear_ibuf [dreg:s9], $0x6FFFF;
	_ =	strace $0x90000046  }
0xb5: {  	s29 =	simm.s32 $0x9;
	_ =	strace $0x80000048  }
0xb6: {  	_ =	swait.ge [sflag:s29], $0x1  }
0xb7: {  	[sflag:s29] =	ssyncadd.s32 $0xFFFFFFFF  }
0xb8: {  	_ =	strace $0x90000048  }
0xb9: {  	_ =	sfence  }
0xba: {  	s30 =	sld [smem:$0x0];
	_ =	sdelay $0x2  }
0xbb: {  	s31 =	sshll.u32 s1, $0xD;
	s1 =	sshrl.u32 s1, $0x2  }
0xbc: {  	s3 =	sand.u32 $0x4000, s31;
	s1 =	sadd.s32 s1, s30  }
0xbd: {  	s0 =	sor.u32 s3, s0;
	s1 =	sshll.u32 s1, $0x11  }
0xbe: {  	s0 =	sor.u32 s1, s0  }
0xbf: {  	s0 =	sadd.s32 $0x8F2B, s0  }
0xc0: {  	[sflag:s0] =	ssyncadd.remote.s32 $0x1  }
0xc1: {  	_ =	sfence.sel $0xFFFF  }
0xc2: {  	[dreg:$0x0] =	wrdreg $0xFFFFFFFF;
	(pc) =	sbr.abs _section_cstart, $3  }
0xc3: {  	[dreg:$0x1] =	wrdreg $0xFFFFFFFF  }
0xc4: {  	_ =	task.clear_ibuf [dreg:s9], $0x2FFFF;
	_ =	strace $0x9FFFFFFF  }
0xc5: {  	(tm) =	ssettm $0x7FFFFFFF  }
tec
execute0_lowered:
.L_overlay_start_1:
0x0: {  	(tag) =	ssettag $0x1  }
0x1: {  	s2 =	rddreg [dreg:$0x0]  }
0x2: {  	s4 =	rddreg [dreg:$0x2]  }
0x3: {  	s0 =	srdreg.scid;
	s1 =	stileid.u32  }
0x4: {  	s5 =	simm.s32 $0x0;
	s28 =	simm.s32 $0x2;
	s29 =	simm.s32 $0x4  }
0x5: {  	s30 =	simm.s32 $0x3;
	s0 =	sand.u32 $0x1, s0;
	s1 =	sshll.u32 s1, $0x1  }
0x6: {  	[smem:$0x7FF] =	sst s5;
	s3 =	ssub.s32 $0x2, s0;
	s0 =	sor.u32 s0, s1  }
0x7: {  	s31 =	simm.s32 $0x5;
	_ =	strace $0x80000047;
	s7 =	smul.u32 $0x64000, s0  }
0x8: {  	s22 =	sshrl.u32 s3, $0x1;
	s23 =	sshll.u32 s0, $0x7;
	s0 =	smul.u32 $0x320000, s0  }
0x9: {  	s1 =	ssub.s32 s3, s22;
	s14 =	sor.u32 $0x3, s23;
	s15 =	sor.u32 $0x5, s23  }
0xa: {  	s16 =	sor.u32 $0x4, s23;
	s17 =	sor.u32 $0x6, s23;
	s18 =	sor.u32 $0x7, s23  }
0xb: {  	s22 =	simm.s32 $0x6400;
	s23 =	simm.s32 $0xC800;
	s6 =	sadd.s32 s2, s7  }
0xc: {  	s8 =	sor.u32 $0xC80, s7;
	s24 =	sadd.s32 s4, s7;
	s7 =	sor.u32 $0x1900, s7  }
0xd: {  	s0 =	sshrl.u32 s0, $0x3;
	s21 =	smax.u32 s1, $0x1;
	s1 =	simm.s32 $0x0  }
0xe: {  	s9 =	sadd.s32 s2, s8;
	[dreg:$0x5] =	wrdreg s24;
	s25 =	sadd.s32 s2, s7  }
0xf: {  	s8 =	sadd.s32 s4, s8;
	s26 =	sadd.s32 $0x2580, s6;
	[dreg:$0x4] =	wrdreg s9  }
0x10: {  	s12 =	sadd.s32 s4, s7;
	s13 =	sadd.s32 $0x3200, s6;
	[dreg:$0x6] =	wrdreg s25  }
0x11: {  	s0 =	sadd.s32 s4, s0;
	s24 =	simm.s32 $0x7;
	[dreg:$0x7] =	wrdreg s8  }
0x12: {  	[dreg:$0x8] =	wrdreg s26;
	s19 =	sadd.s32 $0x62700, s0;
	s20 =	sadd.s32 $0x63380, s0  }
0x13: {  	s25 =	simm.s32 $0x1;
	s26 =	simm.s32 $0x12C00;
	s0 =	simm.s32 $0x6  }
.LBB2_1:
0x14: {  	[tilespmem:s22], [sflag:$0x1] =	stream.linear.gather [hbm4b:s6+s5], $0x6400, $0x38;
	[tilespmem:$0x19000] =	vst v63  }
0x15: {  	s3 =	rddreg [dreg:$0x4]  }
0x16: {  	[tilespmem:s23], [sflag:$0x2] =	stream.linear.gather [hbm4b:s3+s5], $0x6400, $0x38;
	[tilespmem:$0x19000] =	vst v63  }
0x17: {  	s11 =	rddreg [dreg:$0x1]  }
0x18: {  	[tilespmem:s5], [sflag:$0x7] =	stream.linear.gather [hbm4b:s11+s5], $0x6400, $0x38;
	[tilespmem:$0x19000] =	vst v63  }
0x19: {  	_ =	swait.ge [sflag:s24], $0x6400  }
0x1a: {  	[sflag:s24] =	ssyncset.done $0x0  }
0x1b: {  	[sflag:s24] =	ssyncadd.s32 $0xFFFF9C00  }
0x1c: {  	_ =	swait.ge [sflag:s25], $0x6400  }
0x1d: {  	[sflag:s25] =	ssyncset.done $0x0  }
0x1e: {  	s3 =	simm.s32 $0x0;
	[sflag:s25] =	ssyncadd.s32 $0xFFFF9C00  }
0x1f: {  	v0 =	vld [tilespmem:s3+$0x70]  }
0x20: {  	v1 =	vld [tilespmem:s3+$0x0]  }
0x21: {  	v2 =	vld [tilespmem:s3+$0x10]  }
0x22: {  	v3 =	vld [tilespmem:s3+$0x20]  }
0x23: {  	v4 =	vld [tilespmem:s3+$0x30]  }
0x24: {  	v5 =	vld [tilespmem:s3+$0x40]  }
0x25: {  	v6 =	vld [tilespmem:s3+$0x50]  }
0x26: {  	[tilespmem:s3+$0x6470] =	vst.add.f32.msk $0xffff, v0  }
0x27: {  	v0 =	vld [tilespmem:s3+$0x60]  }
0x28: {  	[tilespmem:s3+$0x6400] =	vst.add.f32.msk $0xffff, v1  }
0x29: {  	[tilespmem:s3+$0x6410] =	vst.add.f32.msk $0xffff, v2  }
0x2a: {  	[tilespmem:s3+$0x6420] =	vst.add.f32.msk $0xffff, v3  }
0x2b: {  	[tilespmem:s3+$0x6430] =	vst.add.f32.msk $0xffff, v4  }
0x2c: {  	[tilespmem:s3+$0x6440] =	vst.add.f32.msk $0xffff, v5  }
0x2d: {  	s7 =	simm.s32 $0x0;
	s8 =	simm.s32 $0x200;
	[tilespmem:s3+$0x6450] =	vst.add.f32.msk $0xffff, v6  }
.LBB2_2:
0x2e: {  	s7 =	sadd.s32 $0x8, s7;
	[tilespmem:s3+$0x6460] =	vst.add.f32.msk $0xffff, v0;
	s3 =	sshra.s32 s8, $0x2  }
0x2f: {  	v0 =	vld [tilespmem:s3+$0x70];
	p0 =	slt.u32 s7, $0x638  }
0x30: {  	v1 =	vld [tilespmem:s3+$0x0]  }
0x31: {  	v2 =	vld [tilespmem:s3+$0x10]  }
0x32: {  	v3 =	vld [tilespmem:s3+$0x20]  }
0x33: {  	v4 =	vld [tilespmem:s3+$0x30]  }
0x34: {  	[tilespmem:s3+$0x6470] =	vst.add.f32.msk $0xffff, v0  }
0x35: {  	v5 =	vld [tilespmem:s3+$0x40]  }
0x36: {  	v6 =	vld [tilespmem:s3+$0x50]  }
0x37: {  	v0 =	vld [tilespmem:s3+$0x60]  }
0x38: {  	[tilespmem:s3+$0x6400] =	vst.add.f32.msk $0xffff, v1  }
.Ltmp0:
0x39: {  	[tilespmem:s3+$0x6410] =	vst.add.f32.msk $0xffff, v2;
	(pc) =	sbr.rel @p0 .LBB2_2-.Ltmp0, $4  }
0x3a: {  	[tilespmem:s3+$0x6420] =	vst.add.f32.msk $0xffff, v3  }
0x3b: {  	[tilespmem:s3+$0x6430] =	vst.add.f32.msk $0xffff, v4  }
0x3c: {  	[tilespmem:s3+$0x6440] =	vst.add.f32.msk $0xffff, v5  }
0x3d: {  	s8 =	sadd.s32 $0x200, s8;
	[tilespmem:s3+$0x6450] =	vst.add.f32.msk $0xffff, v6  }
0x3e: {  	[tilespmem:s3+$0x6460] =	vst.add.f32.msk $0xffff, v0;
	s10 =	simm.s32 $0x0;
	s7 =	rddreg [dreg:$0x5]  }
0x3f: {  	[hbm4b:s7+s10] =	stream.linear.scatter [tilespmem:s22], [sflag:$0x4], $0x6400, $0x38;
	[tilespmem:$0x19000] =	vst v63  }
0x40: {  	s11 =	rddreg [dreg:$0x6]  }
0x41: {  	[tilespmem:s26], [sflag:$0x3] =	stream.linear.gather [hbm4b:s11+s10], $0x6400, $0x38;
	[tilespmem:$0x19000] =	vst v63  }
0x42: {  	_ =	swait.ge [sflag:s28], $0x6400  }
0x43: {  	[sflag:s28] =	ssyncset.done $0x0  }
0x44: {  	s3 =	simm.s32 $0x0;
	[sflag:s28] =	ssyncadd.s32 $0xFFFF9C00  }
0x45: {  	v0 =	vld [tilespmem:s3+$0x70]  }
0x46: {  	v1 =	vld [tilespmem:s3+$0x0]  }
0x47: {  	v2 =	vld [tilespmem:s3+$0x10]  }
0x48: {  	v3 =	vld [tilespmem:s3+$0x20]  }
0x49: {  	v4 =	vld [tilespmem:s3+$0x30]  }
0x4a: {  	v5 =	vld [tilespmem:s3+$0x40]  }
0x4b: {  	v6 =	vld [tilespmem:s3+$0x50]  }
0x4c: {  	[tilespmem:s3+$0xC870] =	vst.add.f32.msk $0xffff, v0  }
0x4d: {  	v0 =	vld [tilespmem:s3+$0x60]  }
0x4e: {  	[tilespmem:s3+$0xC800] =	vst.add.f32.msk $0xffff, v1  }
0x4f: {  	[tilespmem:s3+$0xC810] =	vst.add.f32.msk $0xffff, v2  }
0x50: {  	[tilespmem:s3+$0xC820] =	vst.add.f32.msk $0xffff, v3  }
0x51: {  	[tilespmem:s3+$0xC830] =	vst.add.f32.msk $0xffff, v4  }
0x52: {  	[tilespmem:s3+$0xC840] =	vst.add.f32.msk $0xffff, v5  }
0x53: {  	s8 =	simm.s32 $0x200;
	s7 =	simm.s32 $0x0;
	[tilespmem:s3+$0xC850] =	vst.add.f32.msk $0xffff, v6  }
.LBB2_4:
0x54: {  	s7 =	sadd.s32 $0x8, s7;
	[tilespmem:s3+$0xC860] =	vst.add.f32.msk $0xffff, v0;
	s3 =	sshra.s32 s8, $0x2  }
0x55: {  	v0 =	vld [tilespmem:s3+$0x70];
	p0 =	slt.u32 s7, $0x638  }
0x56: {  	v1 =	vld [tilespmem:s3+$0x0]  }
0x57: {  	v2 =	vld [tilespmem:s3+$0x10]  }
0x58: {  	v3 =	vld [tilespmem:s3+$0x20]  }
0x59: {  	v4 =	vld [tilespmem:s3+$0x30]  }
0x5a: {  	[tilespmem:s3+$0xC870] =	vst.add.f32.msk $0xffff, v0  }
0x5b: {  	v5 =	vld [tilespmem:s3+$0x40]  }
0x5c: {  	v6 =	vld [tilespmem:s3+$0x50]  }
0x5d: {  	v0 =	vld [tilespmem:s3+$0x60]  }
0x5e: {  	[tilespmem:s3+$0xC800] =	vst.add.f32.msk $0xffff, v1  }
.Ltmp1:
0x5f: {  	[tilespmem:s3+$0xC810] =	vst.add.f32.msk $0xffff, v2;
	(pc) =	sbr.rel @p0 .LBB2_4-.Ltmp1, $4  }
0x60: {  	[tilespmem:s3+$0xC820] =	vst.add.f32.msk $0xffff, v3  }
0x61: {  	[tilespmem:s3+$0xC830] =	vst.add.f32.msk $0xffff, v4  }
0x62: {  	[tilespmem:s3+$0xC840] =	vst.add.f32.msk $0xffff, v5  }
0x63: {  	s8 =	sadd.s32 $0x200, s8;
	[tilespmem:s3+$0xC850] =	vst.add.f32.msk $0xffff, v6  }
0x64: {  	[tilespmem:s3+$0xC860] =	vst.add.f32.msk $0xffff, v0;
	s10 =	simm.s32 $0x0;
	s7 =	rddreg [dreg:$0x7]  }
0x65: {  	[hbm4b:s7+s10] =	stream.linear.scatter [tilespmem:s23], [sflag:$0x5], $0x6400, $0x38;
	[tilespmem:$0x19000] =	vst v63  }
0x66: {  	_ =	swait.ge [sflag:s29], $0x6400  }
0x67: {  	[sflag:s29] =	ssyncset.done $0x0  }
0x68: {  	s11 =	rddreg [dreg:$0x8];
	[sflag:s29] =	ssyncadd.s32 $0xFFFF9C00  }
0x69: {  	[tilespmem:s22], [sflag:$0x1] =	stream.linear.gather [hbm4b:s11+s10], $0x6400, $0x38;
	[tilespmem:$0x19000] =	vst v63  }
0x6a: {  	_ =	swait.ge [sflag:s30], $0x6400  }
0x6b: {  	[sflag:s30] =	ssyncset.done $0x0  }
0x6c: {  	s3 =	simm.s32 $0x0;
	[sflag:s30] =	ssyncadd.s32 $0xFFFF9C00  }
0x6d: {  	v0 =	vld [tilespmem:s3+$0x70]  }
0x6e: {  	v1 =	vld [tilespmem:s3+$0x0]  }
0x6f: {  	v2 =	vld [tilespmem:s3+$0x10]  }
0x70: {  	v3 =	vld [tilespmem:s3+$0x20]  }
0x71: {  	v4 =	vld [tilespmem:s3+$0x30]  }
0x72: {  	v5 =	vld [tilespmem:s3+$0x40]  }
0x73: {  	v6 =	vld [tilespmem:s3+$0x50]  }
0x74: {  	[tilespmem:s3+$0x12C70] =	vst.add.f32.msk $0xffff, v0  }
0x75: {  	v0 =	vld [tilespmem:s3+$0x60]  }
0x76: {  	[tilespmem:s3+$0x12C00] =	vst.add.f32.msk $0xffff, v1  }
0x77: {  	[tilespmem:s3+$0x12C10] =	vst.add.f32.msk $0xffff, v2  }
0x78: {  	[tilespmem:s3+$0x12C20] =	vst.add.f32.msk $0xffff, v3  }
0x79: {  	[tilespmem:s3+$0x12C30] =	vst.add.f32.msk $0xffff, v4  }
0x7a: {  	[tilespmem:s3+$0x12C40] =	vst.add.f32.msk $0xffff, v5  }
0x7b: {  	s8 =	simm.s32 $0x200;
	s7 =	simm.s32 $0x0;
	[tilespmem:s3+$0x12C50] =	vst.add.f32.msk $0xffff, v6  }
.LBB2_6:
0x7c: {  	s7 =	sadd.s32 $0x8, s7;
	[tilespmem:s3+$0x12C60] =	vst.add.f32.msk $0xffff, v0;
	s3 =	sshra.s32 s8, $0x2  }
0x7d: {  	v0 =	vld [tilespmem:s3+$0x70];
	p0 =	slt.u32 s7, $0x638  }
0x7e: {  	v1 =	vld [tilespmem:s3+$0x0]  }
0x7f: {  	v2 =	vld [tilespmem:s3+$0x10]  }
0x80: {  	v3 =	vld [tilespmem:s3+$0x20]  }
0x81: {  	v4 =	vld [tilespmem:s3+$0x30]  }
0x82: {  	[tilespmem:s3+$0x12C70] =	vst.add.f32.msk $0xffff, v0  }
0x83: {  	v5 =	vld [tilespmem:s3+$0x40]  }
0x84: {  	v6 =	vld [tilespmem:s3+$0x50]  }
0x85: {  	v0 =	vld [tilespmem:s3+$0x60]  }
0x86: {  	[tilespmem:s3+$0x12C00] =	vst.add.f32.msk $0xffff, v1  }
.Ltmp2:
0x87: {  	[tilespmem:s3+$0x12C10] =	vst.add.f32.msk $0xffff, v2;
	(pc) =	sbr.rel @p0 .LBB2_6-.Ltmp2, $4  }
0x88: {  	[tilespmem:s3+$0x12C20] =	vst.add.f32.msk $0xffff, v3  }
0x89: {  	[tilespmem:s3+$0x12C30] =	vst.add.f32.msk $0xffff, v4  }
0x8a: {  	[tilespmem:s3+$0x12C40] =	vst.add.f32.msk $0xffff, v5  }
0x8b: {  	s8 =	sadd.s32 $0x200, s8;
	[tilespmem:s3+$0x12C50] =	vst.add.f32.msk $0xffff, v6  }
0x8c: {  	[tilespmem:s3+$0x12C60] =	vst.add.f32.msk $0xffff, v0;
	s3 =	simm.s32 $0x0  }
0x8d: {  	[hbm4b:s12+s3] =	stream.linear.scatter [tilespmem:s26], [sflag:$0x6], $0x6400, $0x38;
	[tilespmem:$0x19000] =	vst v63  }
0x8e: {  	_ =	swait.ge [sflag:s31], $0x6400  }
0x8f: {  	[sflag:s31] =	ssyncset.done $0x0  }
0x90: {  	[sflag:s31] =	ssyncadd.s32 $0xFFFF9C00  }
0x91: {  	[tilespmem:s23], [sflag:$0x2] =	stream.linear.gather [hbm4b:s13+s3], $0x6400, $0x38;
	[tilespmem:$0x19000] =	vst v63  }
.LBB2_8:
0x92: {  	_ =	swait.ge [sflag:s25], $0x6400  }
0x93: {  	[sflag:s25] =	ssyncset.done $0x0  }
0x94: {  	s8 =	simm.s32 $0x0;
	[sflag:s25] =	ssyncadd.s32 $0xFFFF9C00  }
0x95: {  	v0 =	vld [tilespmem:s8+$0x70]  }
0x96: {  	v1 =	vld [tilespmem:s8+$0x0]  }
0x97: {  	v2 =	vld [tilespmem:s8+$0x10]  }
0x98: {  	v3 =	vld [tilespmem:s8+$0x20]  }
0x99: {  	v4 =	vld [tilespmem:s8+$0x30]  }
0x9a: {  	v5 =	vld [tilespmem:s8+$0x40]  }
0x9b: {  	v6 =	vld [tilespmem:s8+$0x50]  }
0x9c: {  	[tilespmem:s8+$0x6470] =	vst.add.f32.msk $0xffff, v0  }
0x9d: {  	v0 =	vld [tilespmem:s8+$0x60]  }
0x9e: {  	[tilespmem:s8+$0x6400] =	vst.add.f32.msk $0xffff, v1  }
0x9f: {  	[tilespmem:s8+$0x6410] =	vst.add.f32.msk $0xffff, v2  }
0xa0: {  	[tilespmem:s8+$0x6420] =	vst.add.f32.msk $0xffff, v3  }
0xa1: {  	[tilespmem:s8+$0x6430] =	vst.add.f32.msk $0xffff, v4  }
0xa2: {  	[tilespmem:s8+$0x6440] =	vst.add.f32.msk $0xffff, v5  }
0xa3: {  	s7 =	simm.s32 $0x0;
	s9 =	simm.s32 $0x200;
	[tilespmem:s8+$0x6450] =	vst.add.f32.msk $0xffff, v6  }
.LBB2_9:
0xa4: {  	s7 =	sadd.s32 $0x8, s7;
	[tilespmem:s8+$0x6460] =	vst.add.f32.msk $0xffff, v0;
	s8 =	sshra.s32 s9, $0x2  }
0xa5: {  	v0 =	vld [tilespmem:s8+$0x70];
	p0 =	slt.u32 s7, $0x638  }
0xa6: {  	v1 =	vld [tilespmem:s8+$0x0]  }
0xa7: {  	v2 =	vld [tilespmem:s8+$0x10]  }
0xa8: {  	v3 =	vld [tilespmem:s8+$0x20]  }
0xa9: {  	v4 =	vld [tilespmem:s8+$0x30]  }
0xaa: {  	[tilespmem:s8+$0x6470] =	vst.add.f32.msk $0xffff, v0  }
0xab: {  	v5 =	vld [tilespmem:s8+$0x40]  }
0xac: {  	v6 =	vld [tilespmem:s8+$0x50]  }
0xad: {  	v0 =	vld [tilespmem:s8+$0x60]  }
0xae: {  	[tilespmem:s8+$0x6400] =	vst.add.f32.msk $0xffff, v1  }
.Ltmp3:
0xaf: {  	[tilespmem:s8+$0x6410] =	vst.add.f32.msk $0xffff, v2;
	(pc) =	sbr.rel @p0 .LBB2_9-.Ltmp3, $4  }
0xb0: {  	[tilespmem:s8+$0x6420] =	vst.add.f32.msk $0xffff, v3  }
0xb1: {  	[tilespmem:s8+$0x6430] =	vst.add.f32.msk $0xffff, v4  }
0xb2: {  	[tilespmem:s8+$0x6440] =	vst.add.f32.msk $0xffff, v5  }
0xb3: {  	s9 =	sadd.s32 $0x200, s9;
	[tilespmem:s8+$0x6450] =	vst.add.f32.msk $0xffff, v6  }
0xb4: {  	s7 =	smul.u32 $0x3, s3;
	_ =	sdelay $0x1  }
0xb5: {  	s9 =	sadd.s32 s7, s14  }
0xb6: {  	s9 =	smul.u32 $0xC80, s9;
	_ =	sdelay $0x1  }
0xb7: {  	[tilespmem:s8+$0x6460] =	vst.add.f32.msk $0xffff, v0;
	s11 =	sadd.s32 s7, s15;
	s10 =	sadd.s32 s4, s9;
	s9 =	simm.s32 $0x0  }
0xb8: {  	[hbm4b:s10+s9] =	stream.linear.scatter [tilespmem:s22], [sflag:$0x4], $0x6400, $0x38;
	[tilespmem:$0x19000] =	vst v63  }
0xb9: {  	s8 =	smul.u32 $0xC80, s11;
	_ =	swait.ge [sflag:s0], $0x6400  }
0xba: {  	[sflag:s0] =	ssyncset.done $0x0  }
0xbb: {  	s10 =	sadd.s32 s2, s8;
	[sflag:s0] =	ssyncadd.s32 $0xFFFF9C00  }
0xbc: {  	[tilespmem:s26], [sflag:$0x3] =	stream.linear.gather [hbm4b:s10+s9], $0x6400, $0x38;
	[tilespmem:$0x19000] =	vst v63  }
0xbd: {  	_ =	swait.ge [sflag:s28], $0x6400  }
0xbe: {  	[sflag:s28] =	ssyncset.done $0x0  }
0xbf: {  	s9 =	simm.s32 $0x0;
	[sflag:s28] =	ssyncadd.s32 $0xFFFF9C00  }
0xc0: {  	v0 =	vld [tilespmem:s9+$0x70]  }
0xc1: {  	v1 =	vld [tilespmem:s9+$0x0]  }
0xc2: {  	v2 =	vld [tilespmem:s9+$0x10]  }
0xc3: {  	v3 =	vld [tilespmem:s9+$0x20]  }
0xc4: {  	v4 =	vld [tilespmem:s9+$0x30]  }
0xc5: {  	v5 =	vld [tilespmem:s9+$0x40]  }
0xc6: {  	v6 =	vld [tilespmem:s9+$0x50]  }
0xc7: {  	[tilespmem:s9+$0xC870] =	vst.add.f32.msk $0xffff, v0  }
0xc8: {  	v0 =	vld [tilespmem:s9+$0x60]  }
0xc9: {  	[tilespmem:s9+$0xC800] =	vst.add.f32.msk $0xffff, v1  }
0xca: {  	[tilespmem:s9+$0xC810] =	vst.add.f32.msk $0xffff, v2  }
0xcb: {  	[tilespmem:s9+$0xC820] =	vst.add.f32.msk $0xffff, v3  }
0xcc: {  	[tilespmem:s9+$0xC830] =	vst.add.f32.msk $0xffff, v4  }
0xcd: {  	[tilespmem:s9+$0xC840] =	vst.add.f32.msk $0xffff, v5  }
0xce: {  	s11 =	simm.s32 $0x200;
	s10 =	simm.s32 $0x0;
	[tilespmem:s9+$0xC850] =	vst.add.f32.msk $0xffff, v6  }
.LBB2_11:
0xcf: {  	s10 =	sadd.s32 $0x8, s10;
	[tilespmem:s9+$0xC860] =	vst.add.f32.msk $0xffff, v0;
	s9 =	sshra.s32 s11, $0x2  }
0xd0: {  	v0 =	vld [tilespmem:s9+$0x70];
	p0 =	slt.u32 s10, $0x638  }
0xd1: {  	v1 =	vld [tilespmem:s9+$0x0]  }
0xd2: {  	v2 =	vld [tilespmem:s9+$0x10]  }
0xd3: {  	v3 =	vld [tilespmem:s9+$0x20]  }
0xd4: {  	v4 =	vld [tilespmem:s9+$0x30]  }
0xd5: {  	[tilespmem:s9+$0xC870] =	vst.add.f32.msk $0xffff, v0  }
0xd6: {  	v5 =	vld [tilespmem:s9+$0x40]  }
0xd7: {  	v6 =	vld [tilespmem:s9+$0x50]  }
0xd8: {  	v0 =	vld [tilespmem:s9+$0x60]  }
0xd9: {  	[tilespmem:s9+$0xC800] =	vst.add.f32.msk $0xffff, v1  }
.Ltmp4:
0xda: {  	[tilespmem:s9+$0xC810] =	vst.add.f32.msk $0xffff, v2;
	(pc) =	sbr.rel @p0 .LBB2_11-.Ltmp4, $4  }
0xdb: {  	[tilespmem:s9+$0xC820] =	vst.add.f32.msk $0xffff, v3  }
0xdc: {  	[tilespmem:s9+$0xC830] =	vst.add.f32.msk $0xffff, v4  }
0xdd: {  	[tilespmem:s9+$0xC840] =	vst.add.f32.msk $0xffff, v5  }
0xde: {  	s11 =	sadd.s32 $0x200, s11;
	[tilespmem:s9+$0xC850] =	vst.add.f32.msk $0xffff, v6  }
0xdf: {  	s10 =	sadd.s32 s7, s16  }
0xe0: {  	s10 =	smul.u32 $0xC80, s10;
	_ =	sdelay $0x1  }
0xe1: {  	[tilespmem:s9+$0xC860] =	vst.add.f32.msk $0xffff, v0;
	s11 =	sadd.s32 s4, s10;
	s10 =	simm.s32 $0x0  }
0xe2: {  	[hbm4b:s11+s10] =	stream.linear.scatter [tilespmem:s23], [sflag:$0x5], $0x6400, $0x38;
	[tilespmem:$0x19000] =	vst v63  }
0xe3: {  	s11 =	sadd.s32 s7, s17  }
0xe4: {  	_ =	swait.ge [sflag:s29], $0x6400;
	s9 =	smul.u32 $0xC80, s11  }
0xe5: {  	[sflag:s29] =	ssyncset.done $0x0  }
0xe6: {  	[sflag:s29] =	ssyncadd.s32 $0xFFFF9C00;
	s9 =	sadd.s32 s2, s9  }
0xe7: {  	[tilespmem:s22], [sflag:$0x1] =	stream.linear.gather [hbm4b:s9+s10], $0x6400, $0x38;
	[tilespmem:$0x19000] =	vst v63  }
0xe8: {  	_ =	swait.ge [sflag:s30], $0x6400  }
0xe9: {  	[sflag:s30] =	ssyncset.done $0x0  }
0xea: {  	s9 =	simm.s32 $0x0;
	[sflag:s30] =	ssyncadd.s32 $0xFFFF9C00  }
0xeb: {  	v0 =	vld [tilespmem:s9+$0x70]  }
0xec: {  	v1 =	vld [tilespmem:s9+$0x0]  }
0xed: {  	v2 =	vld [tilespmem:s9+$0x10]  }
0xee: {  	v3 =	vld [tilespmem:s9+$0x20]  }
0xef: {  	v4 =	vld [tilespmem:s9+$0x30]  }
0xf0: {  	v5 =	vld [tilespmem:s9+$0x40]  }
0xf1: {  	v6 =	vld [tilespmem:s9+$0x50]  }
0xf2: {  	[tilespmem:s9+$0x12C70] =	vst.add.f32.msk $0xffff, v0  }
0xf3: {  	v0 =	vld [tilespmem:s9+$0x60]  }
0xf4: {  	[tilespmem:s9+$0x12C00] =	vst.add.f32.msk $0xffff, v1  }
0xf5: {  	[tilespmem:s9+$0x12C10] =	vst.add.f32.msk $0xffff, v2  }
0xf6: {  	[tilespmem:s9+$0x12C20] =	vst.add.f32.msk $0xffff, v3  }
0xf7: {  	[tilespmem:s9+$0x12C30] =	vst.add.f32.msk $0xffff, v4  }
0xf8: {  	[tilespmem:s9+$0x12C40] =	vst.add.f32.msk $0xffff, v5  }
0xf9: {  	s11 =	simm.s32 $0x200;
	s10 =	simm.s32 $0x0;
	[tilespmem:s9+$0x12C50] =	vst.add.f32.msk $0xffff, v6  }
.LBB2_13:
0xfa: {  	s10 =	sadd.s32 $0x8, s10;
	[tilespmem:s9+$0x12C60] =	vst.add.f32.msk $0xffff, v0;
	s9 =	sshra.s32 s11, $0x2  }
0xfb: {  	v0 =	vld [tilespmem:s9+$0x70];
	p0 =	slt.u32 s10, $0x638  }
0xfc: {  	v1 =	vld [tilespmem:s9+$0x0]  }
0xfd: {  	v2 =	vld [tilespmem:s9+$0x10]  }
0xfe: {  	v3 =	vld [tilespmem:s9+$0x20]  }
0xff: {  	v4 =	vld [tilespmem:s9+$0x30]  }
0x100: {  	[tilespmem:s9+$0x12C70] =	vst.add.f32.msk $0xffff, v0  }
0x101: {  	v5 =	vld [tilespmem:s9+$0x40]  }
0x102: {  	v6 =	vld [tilespmem:s9+$0x50]  }
0x103: {  	v0 =	vld [tilespmem:s9+$0x60]  }
0x104: {  	[tilespmem:s9+$0x12C00] =	vst.add.f32.msk $0xffff, v1  }
.Ltmp5:
0x105: {  	[tilespmem:s9+$0x12C10] =	vst.add.f32.msk $0xffff, v2;
	(pc) =	sbr.rel @p0 .LBB2_13-.Ltmp5, $4  }
0x106: {  	[tilespmem:s9+$0x12C20] =	vst.add.f32.msk $0xffff, v3  }
0x107: {  	[tilespmem:s9+$0x12C30] =	vst.add.f32.msk $0xffff, v4  }
0x108: {  	[tilespmem:s9+$0x12C40] =	vst.add.f32.msk $0xffff, v5  }
0x109: {  	s11 =	sadd.s32 $0x200, s11;
	[tilespmem:s9+$0x12C50] =	vst.add.f32.msk $0xffff, v6  }
0x10a: {  	[tilespmem:s9+$0x12C60] =	vst.add.f32.msk $0xffff, v0;
	s8 =	sadd.s32 s4, s8;
	s3 =	sadd.s32 $0x1, s3  }
0x10b: {  	[hbm4b:s8+s5] =	stream.linear.scatter [tilespmem:s26], [sflag:$0x6], $0x6400, $0x38;
	[tilespmem:$0x19000] =	vst v63  }
0x10c: {  	p0 =	sne.s32 s3, $0x29  }
.Ltmp6:
0x10d: {  	s7 =	sadd.s32 s7, s18;
	(pc) =	sbr.rel @p0 .LBB2_8-.Ltmp6, $4  }
0x10e: {  	s7 =	smul.u32 $0xC80, s7;
	_ =	swait.ge [sflag:s31], $0x6400  }
0x10f: {  	[sflag:s31] =	ssyncset.done $0x0  }
0x110: {  	s7 =	sadd.s32 s2, s7;
	[sflag:s31] =	ssyncadd.s32 $0xFFFF9C00  }
0x111: {  	[tilespmem:s23], [sflag:$0x2] =	stream.linear.gather [hbm4b:s7+s5], $0x6400, $0x38;
	[tilespmem:$0x19000] =	vst v63  }
0x112: {  	_ =	swait.ge [sflag:s25], $0x6400  }
0x113: {  	[sflag:s25] =	ssyncset.done $0x0  }
0x114: {  	s3 =	simm.s32 $0x0;
	[sflag:s25] =	ssyncadd.s32 $0xFFFF9C00  }
0x115: {  	v0 =	vld [tilespmem:s3+$0x70]  }
0x116: {  	v1 =	vld [tilespmem:s3+$0x0]  }
0x117: {  	v2 =	vld [tilespmem:s3+$0x10]  }
0x118: {  	v3 =	vld [tilespmem:s3+$0x20]  }
0x119: {  	v4 =	vld [tilespmem:s3+$0x30]  }
0x11a: {  	v5 =	vld [tilespmem:s3+$0x40]  }
0x11b: {  	v6 =	vld [tilespmem:s3+$0x50]  }
0x11c: {  	[tilespmem:s3+$0x6470] =	vst.add.f32.msk $0xffff, v0  }
0x11d: {  	v0 =	vld [tilespmem:s3+$0x60]  }
0x11e: {  	[tilespmem:s3+$0x6400] =	vst.add.f32.msk $0xffff, v1  }
0x11f: {  	[tilespmem:s3+$0x6410] =	vst.add.f32.msk $0xffff, v2  }
0x120: {  	[tilespmem:s3+$0x6420] =	vst.add.f32.msk $0xffff, v3  }
0x121: {  	[tilespmem:s3+$0x6430] =	vst.add.f32.msk $0xffff, v4  }
0x122: {  	[tilespmem:s3+$0x6440] =	vst.add.f32.msk $0xffff, v5  }
0x123: {  	s7 =	simm.s32 $0x0;
	s8 =	simm.s32 $0x200;
	[tilespmem:s3+$0x6450] =	vst.add.f32.msk $0xffff, v6  }
.LBB2_16:
0x124: {  	s7 =	sadd.s32 $0x8, s7;
	[tilespmem:s3+$0x6460] =	vst.add.f32.msk $0xffff, v0;
	s3 =	sshra.s32 s8, $0x2  }
0x125: {  	v0 =	vld [tilespmem:s3+$0x70];
	p0 =	slt.u32 s7, $0x638  }
0x126: {  	v1 =	vld [tilespmem:s3+$0x0]  }
0x127: {  	v2 =	vld [tilespmem:s3+$0x10]  }
0x128: {  	v3 =	vld [tilespmem:s3+$0x20]  }
0x129: {  	v4 =	vld [tilespmem:s3+$0x30]  }
0x12a: {  	[tilespmem:s3+$0x6470] =	vst.add.f32.msk $0xffff, v0  }
0x12b: {  	v5 =	vld [tilespmem:s3+$0x40]  }
0x12c: {  	v6 =	vld [tilespmem:s3+$0x50]  }
0x12d: {  	v0 =	vld [tilespmem:s3+$0x60]  }
0x12e: {  	[tilespmem:s3+$0x6400] =	vst.add.f32.msk $0xffff, v1  }
.Ltmp7:
0x12f: {  	[tilespmem:s3+$0x6410] =	vst.add.f32.msk $0xffff, v2;
	(pc) =	sbr.rel @p0 .LBB2_16-.Ltmp7, $4  }
0x130: {  	[tilespmem:s3+$0x6420] =	vst.add.f32.msk $0xffff, v3  }
0x131: {  	[tilespmem:s3+$0x6430] =	vst.add.f32.msk $0xffff, v4  }
0x132: {  	[tilespmem:s3+$0x6440] =	vst.add.f32.msk $0xffff, v5  }
0x133: {  	s8 =	sadd.s32 $0x200, s8;
	[tilespmem:s3+$0x6450] =	vst.add.f32.msk $0xffff, v6  }
0x134: {  	[tilespmem:s3+$0x6460] =	vst.add.f32.msk $0xffff, v0;
	s11 =	simm.s32 $0x0  }
0x135: {  	[hbm4b:s19+s11] =	stream.linear.scatter [tilespmem:s22], [sflag:$0x4], $0x6400, $0x38;
	[tilespmem:$0x19000] =	vst v63  }
0x136: {  	_ =	swait.ge [sflag:s0], $0x6400  }
0x137: {  	[sflag:s0] =	ssyncset.done $0x0  }
0x138: {  	[sflag:s0] =	ssyncadd.s32 $0xFFFF9C00  }
0x139: {  	_ =	swait.ge [sflag:s28], $0x6400  }
0x13a: {  	[sflag:s28] =	ssyncset.done $0x0  }
0x13b: {  	s3 =	simm.s32 $0x0;
	[sflag:s28] =	ssyncadd.s32 $0xFFFF9C00  }
0x13c: {  	v0 =	vld [tilespmem:s3+$0x70]  }
0x13d: {  	v1 =	vld [tilespmem:s3+$0x0]  }
0x13e: {  	v2 =	vld [tilespmem:s3+$0x10]  }
0x13f: {  	v3 =	vld [tilespmem:s3+$0x20]  }
0x140: {  	v4 =	vld [tilespmem:s3+$0x30]  }
0x141: {  	v5 =	vld [tilespmem:s3+$0x40]  }
0x142: {  	v6 =	vld [tilespmem:s3+$0x50]  }
0x143: {  	[tilespmem:s3+$0xC870] =	vst.add.f32.msk $0xffff, v0  }
0x144: {  	v0 =	vld [tilespmem:s3+$0x60]  }
0x145: {  	[tilespmem:s3+$0xC800] =	vst.add.f32.msk $0xffff, v1  }
0x146: {  	[tilespmem:s3+$0xC810] =	vst.add.f32.msk $0xffff, v2  }
0x147: {  	[tilespmem:s3+$0xC820] =	vst.add.f32.msk $0xffff, v3  }
0x148: {  	[tilespmem:s3+$0xC830] =	vst.add.f32.msk $0xffff, v4  }
0x149: {  	[tilespmem:s3+$0xC840] =	vst.add.f32.msk $0xffff, v5  }
0x14a: {  	s7 =	simm.s32 $0x0;
	s8 =	simm.s32 $0x200;
	[tilespmem:s3+$0xC850] =	vst.add.f32.msk $0xffff, v6  }
.LBB2_18:
0x14b: {  	s7 =	sadd.s32 $0x8, s7;
	[tilespmem:s3+$0xC860] =	vst.add.f32.msk $0xffff, v0;
	s3 =	sshra.s32 s8, $0x2  }
0x14c: {  	v0 =	vld [tilespmem:s3+$0x70];
	p0 =	slt.u32 s7, $0x638  }
0x14d: {  	v1 =	vld [tilespmem:s3+$0x0]  }
0x14e: {  	v2 =	vld [tilespmem:s3+$0x10]  }
0x14f: {  	v3 =	vld [tilespmem:s3+$0x20]  }
0x150: {  	v4 =	vld [tilespmem:s3+$0x30]  }
0x151: {  	[tilespmem:s3+$0xC870] =	vst.add.f32.msk $0xffff, v0  }
0x152: {  	v5 =	vld [tilespmem:s3+$0x40]  }
0x153: {  	v6 =	vld [tilespmem:s3+$0x50]  }
0x154: {  	v0 =	vld [tilespmem:s3+$0x60]  }
0x155: {  	[tilespmem:s3+$0xC800] =	vst.add.f32.msk $0xffff, v1  }
.Ltmp8:
0x156: {  	[tilespmem:s3+$0xC810] =	vst.add.f32.msk $0xffff, v2;
	(pc) =	sbr.rel @p0 .LBB2_18-.Ltmp8, $4  }
0x157: {  	[tilespmem:s3+$0xC820] =	vst.add.f32.msk $0xffff, v3  }
0x158: {  	[tilespmem:s3+$0xC830] =	vst.add.f32.msk $0xffff, v4  }
0x159: {  	[tilespmem:s3+$0xC840] =	vst.add.f32.msk $0xffff, v5  }
0x15a: {  	s8 =	sadd.s32 $0x200, s8;
	[tilespmem:s3+$0xC850] =	vst.add.f32.msk $0xffff, v6  }
0x15b: {  	[tilespmem:s3+$0xC860] =	vst.add.f32.msk $0xffff, v0;
	s1 =	sadd.s32 $0x1, s1  }
0x15c: {  	[hbm4b:s20+s5] =	stream.linear.scatter [tilespmem:s23], [sflag:$0x5], $0x6400, $0x38;
	[tilespmem:$0x19000] =	vst v63  }
0x15d: {  	p0 =	sne.s32 s1, s21;
	_ =	swait.ge [sflag:s29], $0x6400  }
.Ltmp9:
0x15e: {  	[sflag:s29] =	ssyncset.done $0x0;
	(pc) =	sbr.rel @p0 .LBB2_1-.Ltmp9, $4  }
0x15f: {  	[sflag:s29] =	ssyncadd.s32 $0xFFFF9C00  }
0x160: {  	_ =	swait.ge [sflag:s31], $0x6400  }
0x161: {  	[sflag:s31] =	ssyncset.done $0x0  }
0x162: {  	[sflag:s31] =	ssyncadd.s32 $0xFFFF9C00  }
0x163: {  	_ =	sfence.sel $0x180000  }
0x164: {  	[bflag:$0x0] =	sbarrier.arrive $0xFFFF  }
0x165: {  	_ =	strace $0x90000047  }
0x166: {  	s0 =	stileid.u32;
	[bflag:$0x2] =	sbarrier.arrive $0xFFFF  }
0x167: {  	p0 =	sne.s32 s0, $0x0;
	s0 =	rddreg [dreg:$0x3]  }
0x168: {  	s0 =	sadd.s32 @!p0 $0x100000, s0  }
0x169: {  	[sflag:s0] =	ssyncadd.tile.s32 @!p0 $0x1;
	_ =	shalt  }
.Lfunc_end2:
_tile_overlayer_lowered:
.L_overlay_start_2:
0x16a: {  	(tag) =	ssettag $0x2  }
0x16b: {  	s0 =	rddreg [dreg:$0x0];
	s2 =	stileid.u32  }
0x16c: {  	s1 =	rddreg [dreg:$0x1];
	p0 =	sne.s32 s2, $0x0  }
0x16d: {  	s3 =	rddreg [dreg:$0x2];
	[bflag:$0x3] =	sbarrier.arrive $0xFFFF;
	s2 =	simm.s32 @!p0 $0x1C07  }
0x16e: {  	[timem:s3], [sflag:s2] =	dma.local @!p0 [hbm:s0], s1  }
0x16f: {  	s0 =	simm.s32 @!p0 $0x7  }
0x170: {  	_ =	swait.ge @!p0 [sflag:s0], s1  }
0x171: {  	s1 =	ssub.s32 @!p0 $0x0, s1;
	[sflag:s0] =	ssyncset.done @!p0 $0x0  }
0x172: {  	[sflag:s0] =	ssyncadd.s32 @!p0 s1  }
0x173: {  	[bflag:$0x3] =	sbarrier.arrive $0xFFFF  }
0x174: {  	_ =	shalt  }

</sc_bundles>
